<compile_context>
chip_gen: v7x
topology: tpu7x:2x2x1
jax: 0.10.2.dev20260603
libtpu: 0.0.44.dev20260713+nightly
codegen_flags: <defaults>
</compile_context>

<pallas_src>
import functools

import jax
import jax.numpy as jnp
from jax import lax
from jax.experimental import pallas as pl
from jax.experimental.pallas import tpu as pltpu
from jax.experimental.pallas import tpu_sc as plsc

N_V = 100000
N_E = 3200000
NC = 2
NS = 16
NW = NC * NS

CHUNK = 25088
TILE_E = 4 * CHUNK
TAIL_BASE = (NW - 1) * TILE_E + 3 * CHUNK
TAIL_E = N_E - TAIL_BASE

ACC = 100352
SLICE_SC = ACC // NS
VPAD = 100096
ROWS_PT = 3200
LAST_ROWS = VPAD - (NW - 1) * ROWS_PT

_mesh = plsc.VectorSubcoreMesh(core_axis_name="c", subcore_axis_name="s")


@functools.partial(
    pl.kernel,
    out_type=jax.ShapeDtypeStruct((NC * ACC,), jnp.float32),
    mesh=_mesh,
    scratch_types=[
        pltpu.VMEM((CHUNK,), jnp.int32),
        pltpu.VMEM((CHUNK,), jnp.int32),
        pltpu.VMEM((CHUNK,), jnp.float32),
        pltpu.VMEM((CHUNK,), jnp.float32),
        pltpu.SemaphoreType.DMA,
        pltpu.SemaphoreType.DMA,
        pltpu.SemaphoreType.DMA,
        pltpu.SemaphoreType.DMA,
        pltpu.VMEM_SHARED((ACC,), jnp.float32),
    ],
)
def _scatter_stage(eidx_hbm, ev_hbm, zeros_hbm, out_hbm,
                   idx0, idx1, val0, val1, si0, si1, sv0, sv1, acc):
    c = lax.axis_index("c")
    s = lax.axis_index("s")
    w = s * NC + c

    idxb, valb = (idx0, idx1), (val0, val1)
    sib, svb = (si0, si1), (sv0, sv1)
    tile_base = pl.multiple_of(w * TILE_E, 128)

    def issue(k):
        b = k % 2
        base = tile_base + k * CHUNK
        pltpu.async_copy(eidx_hbm.at[pl.ds(base, CHUNK)], idxb[b], sib[b])
        pltpu.async_copy(ev_hbm.at[pl.ds(base, CHUNK)], valb[b], svb[b])

    def wait(k):
        b = k % 2
        base = tile_base + k * CHUNK
        pltpu.make_async_copy(eidx_hbm.at[pl.ds(base, CHUNK)], idxb[b],
                              sib[b]).wait()
        pltpu.make_async_copy(ev_hbm.at[pl.ds(base, CHUNK)], valb[b],
                              svb[b]).wait()

    def scatter(k):
        b = k % 2
        pltpu.sync_copy(valb[b], acc.at[idxb[b]], add=True)

    def issue_tail():
        pltpu.async_copy(eidx_hbm.at[pl.ds(TAIL_BASE, TAIL_E)],
                         idx1.at[pl.ds(0, TAIL_E)], si1)
        pltpu.async_copy(ev_hbm.at[pl.ds(TAIL_BASE, TAIL_E)],
                         val1.at[pl.ds(0, TAIL_E)], sv1)
        pltpu.async_copy(zeros_hbm.at[pl.ds(0, CHUNK - TAIL_E)],
                         val1.at[pl.ds(TAIL_E, CHUNK - TAIL_E)], sv1)

    def wait_tail():
        pltpu.make_async_copy(eidx_hbm.at[pl.ds(TAIL_BASE, TAIL_E)],
                              idx1.at[pl.ds(0, TAIL_E)], si1).wait()
        pltpu.make_async_copy(ev_hbm.at[pl.ds(TAIL_BASE, TAIL_E)],
                              val1.at[pl.ds(0, TAIL_E)], sv1).wait()
        pltpu.make_async_copy(zeros_hbm.at[pl.ds(0, CHUNK - TAIL_E)],
                              val1.at[pl.ds(TAIL_E, CHUNK - TAIL_E)],
                              sv1).wait()

    issue(0)
    zbase = pl.multiple_of(s * SLICE_SC, 8)
    pltpu.sync_copy(zeros_hbm.at[pl.ds(zbase, SLICE_SC)],
                    acc.at[pl.ds(zbase, SLICE_SC)])
    plsc.subcore_barrier()

    issue(1)
    wait(0)
    scatter(0)
    issue(2)
    wait(1)
    scatter(1)

    @pl.when(w < NW - 1)
    def _():
        issue(3)

    @pl.when(w == NW - 1)
    def _():
        issue_tail()

    wait(2)
    scatter(2)

    @pl.when(w < NW - 1)
    def _():
        wait(3)
        scatter(3)

    @pl.when(w == NW - 1)
    def _():
        wait_tail()
        scatter(3)

    plsc.subcore_barrier()

    pltpu.sync_copy(acc.at[pl.ds(zbase, SLICE_SC)],
                    out_hbm.at[pl.ds(c * ACC + zbase, SLICE_SC)])


@functools.partial(
    pl.kernel,
    out_type=jax.ShapeDtypeStruct((4, VPAD), jnp.float32),
    mesh=_mesh,
    scratch_types=[
        pltpu.VMEM((4, ROWS_PT), jnp.float32),
        pltpu.VMEM((ROWS_PT,), jnp.float32),
        pltpu.VMEM((ROWS_PT,), jnp.float32),
        pltpu.VMEM((16,), jnp.float32),
    ],
    compiler_params=pltpu.CompilerParams(needs_layout_passes=False),
)
def _update_stage(partials_hbm, vattrT_hbm, alpha_hbm, out_hbm,
                  vbuf, p0b, p1b, abuf):
    c = lax.axis_index("c")
    s = lax.axis_index("s")
    w = s * NC + c

    pltpu.sync_copy(alpha_hbm, abuf)
    av = abuf[...]
    iota = lax.iota(jnp.int32, 16)
    row2 = jnp.full((16,), 2, jnp.int32)

    vbase = pl.multiple_of(w * ROWS_PT, 128)

    def body(nrows):
        pltpu.sync_copy(partials_hbm.at[pl.ds(vbase, nrows)],
                        p0b.at[pl.ds(0, nrows)])
        pltpu.sync_copy(partials_hbm.at[pl.ds(ACC + vbase, nrows)],
                        p1b.at[pl.ds(0, nrows)])
        pltpu.sync_copy(vattrT_hbm.at[:, pl.ds(vbase, nrows)],
                        vbuf.at[:, pl.ds(0, nrows)])

        def step(k, carry):
            i16 = k * 16 + iota
            z = plsc.load_gather(p0b, [i16]) + plsc.load_gather(p1b, [i16])
            r = plsc.load_gather(vbuf, [row2, i16])
            plsc.store_scatter(vbuf, [row2, i16], r - av * z)
            return carry

        lax.fori_loop(0, nrows // 16, step, 0)
        pltpu.sync_copy(vbuf.at[:, pl.ds(0, nrows)],
                        out_hbm.at[:, pl.ds(vbase, nrows)])

    @pl.when(w < NW - 1)
    def _():
        body(ROWS_PT)

    @pl.when(w == NW - 1)
    def _():
        body(LAST_ROWS)


def kernel(vertex_attr, edgeij_pair, edge_attr, g, batch):
    eidx = edgeij_pair[0]
    ev = edge_attr.reshape(-1)
    vT = jnp.pad(vertex_attr.T, ((0, 0), (0, VPAD - N_V)))
    alpha16 = jnp.broadcast_to(g[2], (16,)).astype(jnp.float32)
    zeros = jnp.zeros((ACC,), jnp.float32)
    partials = _scatter_stage(eidx, ev, zeros)
    outT = _update_stage(partials, vT, alpha16)
    return outT[:, :N_V].T

# --- scband reference (transcript-rebuilt; emitter-appended) ---
"""Pipeline reference for scband-iter-greater-than1-layer1-vertex-update-91096256348942 (READ-ONLY COPY).

The authoritative reference and input builder live on the scoring server;
editing this copy changes nothing except your own understanding.
"""

import jax, jax.numpy as jnp
import numpy as np

N_VERTICES = 100000
N_EDGES = 3200000


def setup_inputs(seed: int = 0) -> dict:
    key = jax.random.key(seed)
    k1, k2, k3, k4 = jax.random.split(key, 4)
    vertex_attr = jax.random.normal(k1, (N_VERTICES, 4), dtype=jnp.float32)
    edgeij_pair = jax.random.randint(k2, (2, N_EDGES), 0, N_VERTICES, dtype=jnp.int32)
    edge_attr = jax.random.normal(k3, (N_EDGES, 1), dtype=jnp.float32)
    g = jax.random.normal(k4, (3,), dtype=jnp.float32)
    batch = jnp.zeros((N_VERTICES,), dtype=jnp.int32)
    return {
        "vertex_attr": vertex_attr,
        "edgeij_pair": edgeij_pair,
        "edge_attr": edge_attr,
        "g": g,
        "batch": batch,
    }


def _edge_to_vertex_aggregation(edgeij_pair, edge_attr, n_vertices):
    # scatter-add of per-edge scalar messages onto destination vertices (row index i)
    return jax.ops.segment_sum(edge_attr[:, 0], edgeij_pair[0], num_segments=n_vertices)


def reference(vertex_attr, edgeij_pair, edge_attr, g, batch):
    b_i = vertex_attr[:, 0].reshape(-1, 1)
    x_i = vertex_attr[:, 1].reshape(-1, 1)
    r_i = vertex_attr[:, 2].reshape(-1, 1)
    p_i = vertex_attr[:, 3].reshape(-1, 1)
    alpha = g[2]
    n_vertices = r_i.shape[0]
    zbar = _edge_to_vertex_aggregation(edgeij_pair, edge_attr, n_vertices).reshape(-1, 1)
    r_i = r_i - alpha * zbar
    return jnp.concatenate([b_i, x_i, r_i, p_i], axis=1)

if __name__ == "__main__":
    import jax
    _d = setup_inputs()
    print(jax.jit(kernel)(*tuple(_d.values())))

</pallas_src>

<mosaic_0001>
#map = affine_map<(d0, d1) -> (0)>
module attributes {stable_mosaic.version = 14 : i64} {
  func.func @_scatter_stage(%arg0: i32, %arg1: i32, %arg2: memref<3200000xi32, #tpu.memory_space<hbm>>, %arg3: memref<3200000xf32, #tpu.memory_space<hbm>>, %arg4: memref<100352xf32, #tpu.memory_space<hbm>>, %arg5: memref<200704xf32, #tpu.memory_space<hbm>>, %arg6: memref<25088xi32, #tpu.memory_space<vmem>>, %arg7: memref<25088xi32, #tpu.memory_space<vmem>>, %arg8: memref<25088xf32, #tpu.memory_space<vmem>>, %arg9: memref<25088xf32, #tpu.memory_space<vmem>>, %arg10: memref<!tpu.dma_semaphore, #tpu.memory_space<semaphore_mem>>, %arg11: memref<!tpu.dma_semaphore, #tpu.memory_space<semaphore_mem>>, %arg12: memref<!tpu.dma_semaphore, #tpu.memory_space<semaphore_mem>>, %arg13: memref<!tpu.dma_semaphore, #tpu.memory_space<semaphore_mem>>, %arg14: memref<100352xf32, #tpu.memory_space<vmem_shared>>) attributes {dimension_semantics = [#tpu.dimension_semantics<core_parallel>, #tpu.dimension_semantics<subcore_parallel>], iteration_bounds = array<i64: 2, 16>, scalar_prefetch = 0 : i64, scratch_operands = 9 : i64, tpu.core_type = #tpu.core_type<sc_vector_subcore>, window_params = [{transform_indices = #map}, {transform_indices = #map}, {transform_indices = #map}, {transform_indices = #map}]} {
    %mul3A = arith.constant 2 : i32
    %mul3A_0 = arith.muli %arg1, %mul3A : i32
    %add3A = arith.addi %mul3A_0, %arg0 : i32
    %mul3A_1 = arith.constant 100352 : i32
    %mul3A_2 = arith.muli %add3A, %mul3A_1 : i32
    %multiple_of3A = tpu.assume_multiple %mul3A_2, 128 : i32
    %add3A_3 = arith.constant 0 : i32
    %add3A_4 = arith.addi %multiple_of3A, %add3A_3 : i32
    %dma_start3A = tpu.memref_slice %arg2[%add3A_4] : memref<3200000xi32, #tpu.memory_space<hbm>> -> memref<25088xi32, #tpu.memory_space<hbm>>
    %dma_start3A_5 = tpu.memref_slice %arg2[%add3A_4] : memref<3200000xi32, #tpu.memory_space<hbm>> -> memref<25088xi32, #tpu.memory_space<hbm>>
    tpu.enqueue_dma source(%dma_start3A_5 : memref<25088xi32, #tpu.memory_space<hbm>>) target(%arg6 : memref<25088xi32, #tpu.memory_space<vmem>>) target_semaphore(%arg10 : memref<!tpu.dma_semaphore, #tpu.memory_space<semaphore_mem>>)
    %dma_start3A_6 = tpu.memref_slice %arg3[%add3A_4] : memref<3200000xf32, #tpu.memory_space<hbm>> -> memref<25088xf32, #tpu.memory_space<hbm>>
    %dma_start3A_7 = tpu.memref_slice %arg3[%add3A_4] : memref<3200000xf32, #tpu.memory_space<hbm>> -> memref<25088xf32, #tpu.memory_space<hbm>>
    tpu.enqueue_dma source(%dma_start3A_7 : memref<25088xf32, #tpu.memory_space<hbm>>) target(%arg8 : memref<25088xf32, #tpu.memory_space<vmem>>) target_semaphore(%arg12 : memref<!tpu.dma_semaphore, #tpu.memory_space<semaphore_mem>>)
    %mul3A_8 = arith.constant 6272 : i32
    %mul3A_9 = arith.muli %arg1, %mul3A_8 : i32
    %multiple_of3A_10 = tpu.assume_multiple %mul3A_9, 8 : i32
    "tpu.region"() ({
      %run_scoped3A = tpu.sem_alloc : memref<!tpu.dma_semaphore, #tpu.memory_space<semaphore_mem>>
      %dma_start3A_60 = tpu.memref_slice %arg14[%multiple_of3A_10] : memref<100352xf32, #tpu.memory_space<vmem_shared>> -> memref<6272xf32, #tpu.memory_space<vmem_shared>>
      %dma_start3A_61 = tpu.memref_slice %arg4[%multiple_of3A_10] : memref<100352xf32, #tpu.memory_space<hbm>> -> memref<6272xf32, #tpu.memory_space<hbm>>
      tpu.enqueue_dma source(%dma_start3A_61 : memref<6272xf32, #tpu.memory_space<hbm>>) target(%dma_start3A_60 : memref<6272xf32, #tpu.memory_space<vmem_shared>>) target_semaphore(%run_scoped3A : memref<!tpu.dma_semaphore, #tpu.memory_space<semaphore_mem>>)
      %dma_wait3A_62 = tpu.memref_slice %arg14[%multiple_of3A_10] : memref<100352xf32, #tpu.memory_space<vmem_shared>> -> memref<6272xf32, #tpu.memory_space<vmem_shared>>
      %dma_wait3A_63 = tpu.memref_slice %arg4[%multiple_of3A_10] : memref<100352xf32, #tpu.memory_space<hbm>> -> memref<6272xf32, #tpu.memory_space<hbm>>
      tpu.wait_dma2 semaphore(%run_scoped3A : memref<!tpu.dma_semaphore, #tpu.memory_space<semaphore_mem>>) src(%dma_wait3A_63 : memref<6272xf32, #tpu.memory_space<hbm>>) dst(%dma_wait3A_62 : memref<6272xf32, #tpu.memory_space<vmem_shared>>)
      tpu.yield
    }) : () -> ()
    %barrier3A = arith.constant 0 : index
    tpu.barrier barrier_id(%barrier3A)
    %add3A_11 = arith.constant 25088 : i32
    %add3A_12 = arith.addi %multiple_of3A, %add3A_11 : i32
    %dma_start3A_13 = tpu.memref_slice %arg2[%add3A_12] : memref<3200000xi32, #tpu.memory_space<hbm>> -> memref<25088xi32, #tpu.memory_space<hbm>>
    %dma_start3A_14 = tpu.memref_slice %arg2[%add3A_12] : memref<3200000xi32, #tpu.memory_space<hbm>> -> memref<25088xi32, #tpu.memory_space<hbm>>
    tpu.enqueue_dma source(%dma_start3A_14 : memref<25088xi32, #tpu.memory_space<hbm>>) target(%arg7 : memref<25088xi32, #tpu.memory_space<vmem>>) target_semaphore(%arg11 : memref<!tpu.dma_semaphore, #tpu.memory_space<semaphore_mem>>)
    %dma_start3A_15 = tpu.memref_slice %arg3[%add3A_12] : memref<3200000xf32, #tpu.memory_space<hbm>> -> memref<25088xf32, #tpu.memory_space<hbm>>
    %dma_start3A_16 = tpu.memref_slice %arg3[%add3A_12] : memref<3200000xf32, #tpu.memory_space<hbm>> -> memref<25088xf32, #tpu.memory_space<hbm>>
    tpu.enqueue_dma source(%dma_start3A_16 : memref<25088xf32, #tpu.memory_space<hbm>>) target(%arg9 : memref<25088xf32, #tpu.memory_space<vmem>>) target_semaphore(%arg13 : memref<!tpu.dma_semaphore, #tpu.memory_space<semaphore_mem>>)
    %add3A_17 = arith.constant 0 : i32
    %add3A_18 = arith.addi %multiple_of3A, %add3A_17 : i32
    %dma_wait3A = tpu.memref_slice %arg2[%add3A_18] : memref<3200000xi32, #tpu.memory_space<hbm>> -> memref<25088xi32, #tpu.memory_space<hbm>>
    %dma_wait3A_19 = tpu.memref_slice %arg2[%add3A_18] : memref<3200000xi32, #tpu.memory_space<hbm>> -> memref<25088xi32, #tpu.memory_space<hbm>>
    tpu.wait_dma2 semaphore(%arg10 : memref<!tpu.dma_semaphore, #tpu.memory_space<semaphore_mem>>) src(%dma_wait3A_19 : memref<25088xi32, #tpu.memory_space<hbm>>) dst(%arg6 : memref<25088xi32, #tpu.memory_space<vmem>>)
    %dma_wait3A_20 = tpu.memref_slice %arg3[%add3A_18] : memref<3200000xf32, #tpu.memory_space<hbm>> -> memref<25088xf32, #tpu.memory_space<hbm>>
    %dma_wait3A_21 = tpu.memref_slice %arg3[%add3A_18] : memref<3200000xf32, #tpu.memory_space<hbm>> -> memref<25088xf32, #tpu.memory_space<hbm>>
    tpu.wait_dma2 semaphore(%arg12 : memref<!tpu.dma_semaphore, #tpu.memory_space<semaphore_mem>>) src(%dma_wait3A_21 : memref<25088xf32, #tpu.memory_space<hbm>>) dst(%arg8 : memref<25088xf32, #tpu.memory_space<vmem>>)
    "tpu.region"() ({
      %run_scoped3A = tpu.sem_alloc : memref<!tpu.dma_semaphore, #tpu.memory_space<semaphore_mem>>
      %dma_start3A_60 = arith.constant 0 : i32
      %dma_start3A_61 = tpu.memref_slice %arg14[%dma_start3A_60] : memref<100352xf32, #tpu.memory_space<vmem_shared>> -> memref<100352xf32, #tpu.memory_space<vmem_shared>>
      tpu.enqueue_indirect_dma source(%arg8 : memref<25088xf32, #tpu.memory_space<vmem>>) target(%dma_start3A_61 : memref<100352xf32, #tpu.memory_space<vmem_shared>>) offsets(%arg6 : memref<25088xi32, #tpu.memory_space<vmem>>) semaphore(%run_scoped3A : memref<!tpu.dma_semaphore, #tpu.memory_space<semaphore_mem>>) {add = true}
      %dma_wait3A_62 = arith.constant 0 : i32
      %dma_wait3A_63 = tpu.memref_slice %arg14[%dma_wait3A_62] : memref<100352xf32, #tpu.memory_space<vmem_shared>> -> memref<100352xf32, #tpu.memory_space<vmem_shared>>
      tpu.wait_indirect_dma semaphore(%run_scoped3A : memref<!tpu.dma_semaphore, #tpu.memory_space<semaphore_mem>>) src(%arg8 : memref<25088xf32, #tpu.memory_space<vmem>>) dst(%dma_wait3A_63 : memref<100352xf32, #tpu.memory_space<vmem_shared>>)
      tpu.yield
    }) : () -> ()
    %add3A_22 = arith.constant 50176 : i32
    %add3A_23 = arith.addi %multiple_of3A, %add3A_22 : i32
    %dma_start3A_24 = tpu.memref_slice %arg2[%add3A_23] : memref<3200000xi32, #tpu.memory_space<hbm>> -> memref<25088xi32, #tpu.memory_space<hbm>>
    %dma_start3A_25 = tpu.memref_slice %arg2[%add3A_23] : memref<3200000xi32, #tpu.memory_space<hbm>> -> memref<25088xi32, #tpu.memory_space<hbm>>
    tpu.enqueue_dma source(%dma_start3A_25 : memref<25088xi32, #tpu.memory_space<hbm>>) target(%arg6 : memref<25088xi32, #tpu.memory_space<vmem>>) target_semaphore(%arg10 : memref<!tpu.dma_semaphore, #tpu.memory_space<semaphore_mem>>)
    %dma_start3A_26 = tpu.memref_slice %arg3[%add3A_23] : memref<3200000xf32, #tpu.memory_space<hbm>> -> memref<25088xf32, #tpu.memory_space<hbm>>
    %dma_start3A_27 = tpu.memref_slice %arg3[%add3A_23] : memref<3200000xf32, #tpu.memory_space<hbm>> -> memref<25088xf32, #tpu.memory_space<hbm>>
    tpu.enqueue_dma source(%dma_start3A_27 : memref<25088xf32, #tpu.memory_space<hbm>>) target(%arg8 : memref<25088xf32, #tpu.memory_space<vmem>>) target_semaphore(%arg12 : memref<!tpu.dma_semaphore, #tpu.memory_space<semaphore_mem>>)
    %add3A_28 = arith.constant 25088 : i32
    %add3A_29 = arith.addi %multiple_of3A, %add3A_28 : i32
    %dma_wait3A_30 = tpu.memref_slice %arg2[%add3A_29] : memref<3200000xi32, #tpu.memory_space<hbm>> -> memref<25088xi32, #tpu.memory_space<hbm>>
    %dma_wait3A_31 = tpu.memref_slice %arg2[%add3A_29] : memref<3200000xi32, #tpu.memory_space<hbm>> -> memref<25088xi32, #tpu.memory_space<hbm>>
    tpu.wait_dma2 semaphore(%arg11 : memref<!tpu.dma_semaphore, #tpu.memory_space<semaphore_mem>>) src(%dma_wait3A_31 : memref<25088xi32, #tpu.memory_space<hbm>>) dst(%arg7 : memref<25088xi32, #tpu.memory_space<vmem>>)
    %dma_wait3A_32 = tpu.memref_slice %arg3[%add3A_29] : memref<3200000xf32, #tpu.memory_space<hbm>> -> memref<25088xf32, #tpu.memory_space<hbm>>
    %dma_wait3A_33 = tpu.memref_slice %arg3[%add3A_29] : memref<3200000xf32, #tpu.memory_space<hbm>> -> memref<25088xf32, #tpu.memory_space<hbm>>
    tpu.wait_dma2 semaphore(%arg13 : memref<!tpu.dma_semaphore, #tpu.memory_space<semaphore_mem>>) src(%dma_wait3A_33 : memref<25088xf32, #tpu.memory_space<hbm>>) dst(%arg9 : memref<25088xf32, #tpu.memory_space<vmem>>)
    "tpu.region"() ({
      %run_scoped3A = tpu.sem_alloc : memref<!tpu.dma_semaphore, #tpu.memory_space<semaphore_mem>>
      %dma_start3A_60 = arith.constant 0 : i32
      %dma_start3A_61 = tpu.memref_slice %arg14[%dma_start3A_60] : memref<100352xf32, #tpu.memory_space<vmem_shared>> -> memref<100352xf32, #tpu.memory_space<vmem_shared>>
      tpu.enqueue_indirect_dma source(%arg9 : memref<25088xf32, #tpu.memory_space<vmem>>) target(%dma_start3A_61 : memref<100352xf32, #tpu.memory_space<vmem_shared>>) offsets(%arg7 : memref<25088xi32, #tpu.memory_space<vmem>>) semaphore(%run_scoped3A : memref<!tpu.dma_semaphore, #tpu.memory_space<semaphore_mem>>) {add = true}
      %dma_wait3A_62 = arith.constant 0 : i32
      %dma_wait3A_63 = tpu.memref_slice %arg14[%dma_wait3A_62] : memref<100352xf32, #tpu.memory_space<vmem_shared>> -> memref<100352xf32, #tpu.memory_space<vmem_shared>>
      tpu.wait_indirect_dma semaphore(%run_scoped3A : memref<!tpu.dma_semaphore, #tpu.memory_space<semaphore_mem>>) src(%arg9 : memref<25088xf32, #tpu.memory_space<vmem>>) dst(%dma_wait3A_63 : memref<100352xf32, #tpu.memory_space<vmem_shared>>)
      tpu.yield
    }) : () -> ()
    %lt3A = arith.constant 31 : i32
    %lt3A_34 = arith.cmpi slt, %add3A, %lt3A : i32
    %convert_element_type3A = arith.extui %lt3A_34 : i1 to i32
    %cond3A = arith.constant 0 : i32
    %cond3A_35 = arith.cmpi ne, %convert_element_type3A, %cond3A : i32
    scf.if %cond3A_35 {
      %add3A_60 = arith.constant 75264 : i32
      %add3A_61 = arith.addi %multiple_of3A, %add3A_60 : i32
      %dma_start3A_62 = tpu.memref_slice %arg2[%add3A_61] : memref<3200000xi32, #tpu.memory_space<hbm>> -> memref<25088xi32, #tpu.memory_space<hbm>>
      %dma_start3A_63 = tpu.memref_slice %arg2[%add3A_61] : memref<3200000xi32, #tpu.memory_space<hbm>> -> memref<25088xi32, #tpu.memory_space<hbm>>
      tpu.enqueue_dma source(%dma_start3A_63 : memref<25088xi32, #tpu.memory_space<hbm>>) target(%arg7 : memref<25088xi32, #tpu.memory_space<vmem>>) target_semaphore(%arg11 : memref<!tpu.dma_semaphore, #tpu.memory_space<semaphore_mem>>)
      %dma_start3A_64 = tpu.memref_slice %arg3[%add3A_61] : memref<3200000xf32, #tpu.memory_space<hbm>> -> memref<25088xf32, #tpu.memory_space<hbm>>
      %dma_start3A_65 = tpu.memref_slice %arg3[%add3A_61] : memref<3200000xf32, #tpu.memory_space<hbm>> -> memref<25088xf32, #tpu.memory_space<hbm>>
      tpu.enqueue_dma source(%dma_start3A_65 : memref<25088xf32, #tpu.memory_space<hbm>>) target(%arg9 : memref<25088xf32, #tpu.memory_space<vmem>>) target_semaphore(%arg13 : memref<!tpu.dma_semaphore, #tpu.memory_space<semaphore_mem>>)
    } else {
    }
    %eq3A = arith.constant 31 : i32
    %eq3A_36 = arith.cmpi eq, %add3A, %eq3A : i32
    %convert_element_type3A_37 = arith.extui %eq3A_36 : i1 to i32
    %cond3A_38 = arith.constant 0 : i32
    %cond3A_39 = arith.cmpi ne, %convert_element_type3A_37, %cond3A_38 : i32
    scf.if %cond3A_39 {
      %dma_start3A_60 = arith.constant 0 : i32
      %dma_start3A_61 = tpu.memref_slice %arg7[%dma_start3A_60] : memref<25088xi32, #tpu.memory_space<vmem>> -> memref<13824xi32, #tpu.memory_space<vmem>>
      %dma_start3A_62 = arith.constant 3186176 : i32
      %dma_start3A_63 = tpu.memref_slice %arg2[%dma_start3A_62] : memref<3200000xi32, #tpu.memory_space<hbm>> -> memref<13824xi32, #tpu.memory_space<hbm>>
      %dma_start3A_64 = arith.constant 0 : i32
      %dma_start3A_65 = tpu.memref_slice %arg7[%dma_start3A_64] : memref<25088xi32, #tpu.memory_space<vmem>> -> memref<13824xi32, #tpu.memory_space<vmem>>
      %dma_start3A_66 = arith.constant 3186176 : i32
      %dma_start3A_67 = tpu.memref_slice %arg2[%dma_start3A_66] : memref<3200000xi32, #tpu.memory_space<hbm>> -> memref<13824xi32, #tpu.memory_space<hbm>>
      tpu.enqueue_dma source(%dma_start3A_67 : memref<13824xi32, #tpu.memory_space<hbm>>) target(%dma_start3A_65 : memref<13824xi32, #tpu.memory_space<vmem>>) target_semaphore(%arg11 : memref<!tpu.dma_semaphore, #tpu.memory_space<semaphore_mem>>)
      %dma_start3A_68 = arith.constant 0 : i32
      %dma_start3A_69 = tpu.memref_slice %arg9[%dma_start3A_68] : memref<25088xf32, #tpu.memory_space<vmem>> -> memref<13824xf32, #tpu.memory_space<vmem>>
      %dma_start3A_70 = arith.constant 3186176 : i32
      %dma_start3A_71 = tpu.memref_slice %arg3[%dma_start3A_70] : memref<3200000xf32, #tpu.memory_space<hbm>> -> memref<13824xf32, #tpu.memory_space<hbm>>
      %dma_start3A_72 = arith.constant 0 : i32
      %dma_start3A_73 = tpu.memref_slice %arg9[%dma_start3A_72] : memref<25088xf32, #tpu.memory_space<vmem>> -> memref<13824xf32, #tpu.memory_space<vmem>>
      %dma_start3A_74 = arith.constant 3186176 : i32
      %dma_start3A_75 = tpu.memref_slice %arg3[%dma_start3A_74] : memref<3200000xf32, #tpu.memory_space<hbm>> -> memref<13824xf32, #tpu.memory_space<hbm>>
      tpu.enqueue_dma source(%dma_start3A_75 : memref<13824xf32, #tpu.memory_space<hbm>>) target(%dma_start3A_73 : memref<13824xf32, #tpu.memory_space<vmem>>) target_semaphore(%arg13 : memref<!tpu.dma_semaphore, #tpu.memory_space<semaphore_mem>>)
      %dma_start3A_76 = arith.constant 13824 : i32
      %dma_start3A_77 = tpu.memref_slice %arg9[%dma_start3A_76] : memref<25088xf32, #tpu.memory_space<vmem>> -> memref<11264xf32, #tpu.memory_space<vmem>>
      %dma_start3A_78 = arith.constant 0 : i32
      %dma_start3A_79 = tpu.memref_slice %arg4[%dma_start3A_78] : memref<100352xf32, #tpu.memory_space<hbm>> -> memref<11264xf32, #tpu.memory_space<hbm>>
      %dma_start3A_80 = arith.constant 13824 : i32
      %dma_start3A_81 = tpu.memref_slice %arg9[%dma_start3A_80] : memref<25088xf32, #tpu.memory_space<vmem>> -> memref<11264xf32, #tpu.memory_space<vmem>>
      %dma_start3A_82 = arith.constant 0 : i32
      %dma_start3A_83 = tpu.memref_slice %arg4[%dma_start3A_82] : memref<100352xf32, #tpu.memory_space<hbm>> -> memref<11264xf32, #tpu.memory_space<hbm>>
      tpu.enqueue_dma source(%dma_start3A_83 : memref<11264xf32, #tpu.memory_space<hbm>>) target(%dma_start3A_81 : memref<11264xf32, #tpu.memory_space<vmem>>) target_semaphore(%arg13 : memref<!tpu.dma_semaphore, #tpu.memory_space<semaphore_mem>>)
    } else {
    }
    %add3A_40 = arith.constant 50176 : i32
    %add3A_41 = arith.addi %multiple_of3A, %add3A_40 : i32
    %dma_wait3A_42 = tpu.memref_slice %arg2[%add3A_41] : memref<3200000xi32, #tpu.memory_space<hbm>> -> memref<25088xi32, #tpu.memory_space<hbm>>
    %dma_wait3A_43 = tpu.memref_slice %arg2[%add3A_41] : memref<3200000xi32, #tpu.memory_space<hbm>> -> memref<25088xi32, #tpu.memory_space<hbm>>
    tpu.wait_dma2 semaphore(%arg10 : memref<!tpu.dma_semaphore, #tpu.memory_space<semaphore_mem>>) src(%dma_wait3A_43 : memref<25088xi32, #tpu.memory_space<hbm>>) dst(%arg6 : memref<25088xi32, #tpu.memory_space<vmem>>)
    %dma_wait3A_44 = tpu.memref_slice %arg3[%add3A_41] : memref<3200000xf32, #tpu.memory_space<hbm>> -> memref<25088xf32, #tpu.memory_space<hbm>>
    %dma_wait3A_45 = tpu.memref_slice %arg3[%add3A_41] : memref<3200000xf32, #tpu.memory_space<hbm>> -> memref<25088xf32, #tpu.memory_space<hbm>>
    tpu.wait_dma2 semaphore(%arg12 : memref<!tpu.dma_semaphore, #tpu.memory_space<semaphore_mem>>) src(%dma_wait3A_45 : memref<25088xf32, #tpu.memory_space<hbm>>) dst(%arg8 : memref<25088xf32, #tpu.memory_space<vmem>>)
    "tpu.region"() ({
      %run_scoped3A = tpu.sem_alloc : memref<!tpu.dma_semaphore, #tpu.memory_space<semaphore_mem>>
      %dma_start3A_60 = arith.constant 0 : i32
      %dma_start3A_61 = tpu.memref_slice %arg14[%dma_start3A_60] : memref<100352xf32, #tpu.memory_space<vmem_shared>> -> memref<100352xf32, #tpu.memory_space<vmem_shared>>
      tpu.enqueue_indirect_dma source(%arg8 : memref<25088xf32, #tpu.memory_space<vmem>>) target(%dma_start3A_61 : memref<100352xf32, #tpu.memory_space<vmem_shared>>) offsets(%arg6 : memref<25088xi32, #tpu.memory_space<vmem>>) semaphore(%run_scoped3A : memref<!tpu.dma_semaphore, #tpu.memory_space<semaphore_mem>>) {add = true}
      %dma_wait3A_62 = arith.constant 0 : i32
      %dma_wait3A_63 = tpu.memref_slice %arg14[%dma_wait3A_62] : memref<100352xf32, #tpu.memory_space<vmem_shared>> -> memref<100352xf32, #tpu.memory_space<vmem_shared>>
      tpu.wait_indirect_dma semaphore(%run_scoped3A : memref<!tpu.dma_semaphore, #tpu.memory_space<semaphore_mem>>) src(%arg8 : memref<25088xf32, #tpu.memory_space<vmem>>) dst(%dma_wait3A_63 : memref<100352xf32, #tpu.memory_space<vmem_shared>>)
      tpu.yield
    }) : () -> ()
    %lt3A_46 = arith.constant 31 : i32
    %lt3A_47 = arith.cmpi slt, %add3A, %lt3A_46 : i32
    %convert_element_type3A_48 = arith.extui %lt3A_47 : i1 to i32
    %cond3A_49 = arith.constant 0 : i32
    %cond3A_50 = arith.cmpi ne, %convert_element_type3A_48, %cond3A_49 : i32
    scf.if %cond3A_50 {
      %add3A_60 = arith.constant 75264 : i32
      %add3A_61 = arith.addi %multiple_of3A, %add3A_60 : i32
      %dma_wait3A_62 = tpu.memref_slice %arg2[%add3A_61] : memref<3200000xi32, #tpu.memory_space<hbm>> -> memref<25088xi32, #tpu.memory_space<hbm>>
      %dma_wait3A_63 = tpu.memref_slice %arg2[%add3A_61] : memref<3200000xi32, #tpu.memory_space<hbm>> -> memref<25088xi32, #tpu.memory_space<hbm>>
      tpu.wait_dma2 semaphore(%arg11 : memref<!tpu.dma_semaphore, #tpu.memory_space<semaphore_mem>>) src(%dma_wait3A_63 : memref<25088xi32, #tpu.memory_space<hbm>>) dst(%arg7 : memref<25088xi32, #tpu.memory_space<vmem>>)
      %dma_wait3A_64 = tpu.memref_slice %arg3[%add3A_61] : memref<3200000xf32, #tpu.memory_space<hbm>> -> memref<25088xf32, #tpu.memory_space<hbm>>
      %dma_wait3A_65 = tpu.memref_slice %arg3[%add3A_61] : memref<3200000xf32, #tpu.memory_space<hbm>> -> memref<25088xf32, #tpu.memory_space<hbm>>
      tpu.wait_dma2 semaphore(%arg13 : memref<!tpu.dma_semaphore, #tpu.memory_space<semaphore_mem>>) src(%dma_wait3A_65 : memref<25088xf32, #tpu.memory_space<hbm>>) dst(%arg9 : memref<25088xf32, #tpu.memory_space<vmem>>)
      "tpu.region"() ({
        %run_scoped3A = tpu.sem_alloc : memref<!tpu.dma_semaphore, #tpu.memory_space<semaphore_mem>>
        %dma_start3A_66 = arith.constant 0 : i32
        %dma_start3A_67 = tpu.memref_slice %arg14[%dma_start3A_66] : memref<100352xf32, #tpu.memory_space<vmem_shared>> -> memref<100352xf32, #tpu.memory_space<vmem_shared>>
        tpu.enqueue_indirect_dma source(%arg9 : memref<25088xf32, #tpu.memory_space<vmem>>) target(%dma_start3A_67 : memref<100352xf32, #tpu.memory_space<vmem_shared>>) offsets(%arg7 : memref<25088xi32, #tpu.memory_space<vmem>>) semaphore(%run_scoped3A : memref<!tpu.dma_semaphore, #tpu.memory_space<semaphore_mem>>) {add = true}
        %dma_wait3A_68 = arith.constant 0 : i32
        %dma_wait3A_69 = tpu.memref_slice %arg14[%dma_wait3A_68] : memref<100352xf32, #tpu.memory_space<vmem_shared>> -> memref<100352xf32, #tpu.memory_space<vmem_shared>>
        tpu.wait_indirect_dma semaphore(%run_scoped3A : memref<!tpu.dma_semaphore, #tpu.memory_space<semaphore_mem>>) src(%arg9 : memref<25088xf32, #tpu.memory_space<vmem>>) dst(%dma_wait3A_69 : memref<100352xf32, #tpu.memory_space<vmem_shared>>)
        tpu.yield
      }) : () -> ()
    } else {
    }
    %eq3A_51 = arith.constant 31 : i32
    %eq3A_52 = arith.cmpi eq, %add3A, %eq3A_51 : i32
    %convert_element_type3A_53 = arith.extui %eq3A_52 : i1 to i32
    %cond3A_54 = arith.constant 0 : i32
    %cond3A_55 = arith.cmpi ne, %convert_element_type3A_53, %cond3A_54 : i32
    scf.if %cond3A_55 {
      %dma_wait3A_60 = arith.constant 0 : i32
      %dma_wait3A_61 = tpu.memref_slice %arg7[%dma_wait3A_60] : memref<25088xi32, #tpu.memory_space<vmem>> -> memref<13824xi32, #tpu.memory_space<vmem>>
      %dma_wait3A_62 = arith.constant 3186176 : i32
      %dma_wait3A_63 = tpu.memref_slice %arg2[%dma_wait3A_62] : memref<3200000xi32, #tpu.memory_space<hbm>> -> memref<13824xi32, #tpu.memory_space<hbm>>
      %dma_wait3A_64 = arith.constant 0 : i32
      %dma_wait3A_65 = tpu.memref_slice %arg7[%dma_wait3A_64] : memref<25088xi32, #tpu.memory_space<vmem>> -> memref<13824xi32, #tpu.memory_space<vmem>>
      %dma_wait3A_66 = arith.constant 3186176 : i32
      %dma_wait3A_67 = tpu.memref_slice %arg2[%dma_wait3A_66] : memref<3200000xi32, #tpu.memory_space<hbm>> -> memref<13824xi32, #tpu.memory_space<hbm>>
      tpu.wait_dma2 semaphore(%arg11 : memref<!tpu.dma_semaphore, #tpu.memory_space<semaphore_mem>>) src(%dma_wait3A_67 : memref<13824xi32, #tpu.memory_space<hbm>>) dst(%dma_wait3A_65 : memref<13824xi32, #tpu.memory_space<vmem>>)
      %dma_wait3A_68 = arith.constant 0 : i32
      %dma_wait3A_69 = tpu.memref_slice %arg9[%dma_wait3A_68] : memref<25088xf32, #tpu.memory_space<vmem>> -> memref<13824xf32, #tpu.memory_space<vmem>>
      %dma_wait3A_70 = arith.constant 3186176 : i32
      %dma_wait3A_71 = tpu.memref_slice %arg3[%dma_wait3A_70] : memref<3200000xf32, #tpu.memory_space<hbm>> -> memref<13824xf32, #tpu.memory_space<hbm>>
      %dma_wait3A_72 = arith.constant 0 : i32
      %dma_wait3A_73 = tpu.memref_slice %arg9[%dma_wait3A_72] : memref<25088xf32, #tpu.memory_space<vmem>> -> memref<13824xf32, #tpu.memory_space<vmem>>
      %dma_wait3A_74 = arith.constant 3186176 : i32
      %dma_wait3A_75 = tpu.memref_slice %arg3[%dma_wait3A_74] : memref<3200000xf32, #tpu.memory_space<hbm>> -> memref<13824xf32, #tpu.memory_space<hbm>>
      tpu.wait_dma2 semaphore(%arg13 : memref<!tpu.dma_semaphore, #tpu.memory_space<semaphore_mem>>) src(%dma_wait3A_75 : memref<13824xf32, #tpu.memory_space<hbm>>) dst(%dma_wait3A_73 : memref<13824xf32, #tpu.memory_space<vmem>>)
      %dma_wait3A_76 = arith.constant 13824 : i32
      %dma_wait3A_77 = tpu.memref_slice %arg9[%dma_wait3A_76] : memref<25088xf32, #tpu.memory_space<vmem>> -> memref<11264xf32, #tpu.memory_space<vmem>>
      %dma_wait3A_78 = arith.constant 0 : i32
      %dma_wait3A_79 = tpu.memref_slice %arg4[%dma_wait3A_78] : memref<100352xf32, #tpu.memory_space<hbm>> -> memref<11264xf32, #tpu.memory_space<hbm>>
      %dma_wait3A_80 = arith.constant 13824 : i32
      %dma_wait3A_81 = tpu.memref_slice %arg9[%dma_wait3A_80] : memref<25088xf32, #tpu.memory_space<vmem>> -> memref<11264xf32, #tpu.memory_space<vmem>>
      %dma_wait3A_82 = arith.constant 0 : i32
      %dma_wait3A_83 = tpu.memref_slice %arg4[%dma_wait3A_82] : memref<100352xf32, #tpu.memory_space<hbm>> -> memref<11264xf32, #tpu.memory_space<hbm>>
      tpu.wait_dma2 semaphore(%arg13 : memref<!tpu.dma_semaphore, #tpu.memory_space<semaphore_mem>>) src(%dma_wait3A_83 : memref<11264xf32, #tpu.memory_space<hbm>>) dst(%dma_wait3A_81 : memref<11264xf32, #tpu.memory_space<vmem>>)
      "tpu.region"() ({
        %run_scoped3A = tpu.sem_alloc : memref<!tpu.dma_semaphore, #tpu.memory_space<semaphore_mem>>
        %dma_start3A_84 = arith.constant 0 : i32
        %dma_start3A_85 = tpu.memref_slice %arg14[%dma_start3A_84] : memref<100352xf32, #tpu.memory_space<vmem_shared>> -> memref<100352xf32, #tpu.memory_space<vmem_shared>>
        tpu.enqueue_indirect_dma source(%arg9 : memref<25088xf32, #tpu.memory_space<vmem>>) target(%dma_start3A_85 : memref<100352xf32, #tpu.memory_space<vmem_shared>>) offsets(%arg7 : memref<25088xi32, #tpu.memory_space<vmem>>) semaphore(%run_scoped3A : memref<!tpu.dma_semaphore, #tpu.memory_space<semaphore_mem>>) {add = true}
        %dma_wait3A_86 = arith.constant 0 : i32
        %dma_wait3A_87 = tpu.memref_slice %arg14[%dma_wait3A_86] : memref<100352xf32, #tpu.memory_space<vmem_shared>> -> memref<100352xf32, #tpu.memory_space<vmem_shared>>
        tpu.wait_indirect_dma semaphore(%run_scoped3A : memref<!tpu.dma_semaphore, #tpu.memory_space<semaphore_mem>>) src(%arg9 : memref<25088xf32, #tpu.memory_space<vmem>>) dst(%dma_wait3A_87 : memref<100352xf32, #tpu.memory_space<vmem_shared>>)
        tpu.yield
      }) : () -> ()
    } else {
    }
    %barrier3A_56 = arith.constant 0 : index
    tpu.barrier barrier_id(%barrier3A_56)
    %mul3A_57 = arith.constant 100352 : i32
    %mul3A_58 = arith.muli %arg0, %mul3A_57 : i32
    %add3A_59 = arith.addi %mul3A_58, %multiple_of3A_10 : i32
    "tpu.region"() ({
      %run_scoped3A = tpu.sem_alloc : memref<!tpu.dma_semaphore, #tpu.memory_space<semaphore_mem>>
      %dma_start3A_60 = tpu.memref_slice %arg5[%add3A_59] : memref<200704xf32, #tpu.memory_space<hbm>> -> memref<6272xf32, #tpu.memory_space<hbm>>
      %dma_start3A_61 = tpu.memref_slice %arg14[%multiple_of3A_10] : memref<100352xf32, #tpu.memory_space<vmem_shared>> -> memref<6272xf32, #tpu.memory_space<vmem_shared>>
      tpu.enqueue_dma source(%dma_start3A_61 : memref<6272xf32, #tpu.memory_space<vmem_shared>>) target(%dma_start3A_60 : memref<6272xf32, #tpu.memory_space<hbm>>) target_semaphore(%run_scoped3A : memref<!tpu.dma_semaphore, #tpu.memory_space<semaphore_mem>>)
      %dma_wait3A_62 = tpu.memref_slice %arg5[%add3A_59] : memref<200704xf32, #tpu.memory_space<hbm>> -> memref<6272xf32, #tpu.memory_space<hbm>>
      %dma_wait3A_63 = tpu.memref_slice %arg14[%multiple_of3A_10] : memref<100352xf32, #tpu.memory_space<vmem_shared>> -> memref<6272xf32, #tpu.memory_space<vmem_shared>>
      tpu.wait_dma2 semaphore(%run_scoped3A : memref<!tpu.dma_semaphore, #tpu.memory_space<semaphore_mem>>) src(%dma_wait3A_63 : memref<6272xf32, #tpu.memory_space<vmem_shared>>) dst(%dma_wait3A_62 : memref<6272xf32, #tpu.memory_space<hbm>>)
      tpu.yield
    }) : () -> ()
    return
  }
}

#map = affine_map<(d0, d1) -> (0)>
#map1 = affine_map<(d0, d1) -> (0, 0)>
module attributes {stable_mosaic.version = 14 : i64} {
  func.func @_update_stage(%arg0: i32, %arg1: i32, %arg2: memref<200704xf32, #tpu.memory_space<hbm>>, %arg3: memref<4x100096xf32, #tpu.memory_space<hbm>>, %arg4: memref<16xf32, #tpu.memory_space<hbm>>, %arg5: memref<4x100096xf32, #tpu.memory_space<hbm>>, %arg6: memref<4x3200xf32, #tpu.memory_space<vmem>>, %arg7: memref<3200xf32, #tpu.memory_space<vmem>>, %arg8: memref<3200xf32, #tpu.memory_space<vmem>>, %arg9: memref<16xf32, #tpu.memory_space<vmem>>) attributes {dimension_semantics = [#tpu.dimension_semantics<core_parallel>, #tpu.dimension_semantics<subcore_parallel>], iteration_bounds = array<i64: 2, 16>, scalar_prefetch = 0 : i64, scratch_operands = 4 : i64, tpu.core_type = #tpu.core_type<sc_vector_subcore>, window_params = [{transform_indices = #map}, {transform_indices = #map1}, {transform_indices = #map}, {transform_indices = #map1}]} {
    %mul3A = arith.constant 2 : i32
    %mul3A_0 = arith.muli %arg1, %mul3A : i32
    %add3A = arith.addi %mul3A_0, %arg0 : i32
    "tpu.region"() ({
      %run_scoped3A = tpu.sem_alloc : memref<!tpu.dma_semaphore, #tpu.memory_space<semaphore_mem>>
      tpu.enqueue_dma source(%arg4 : memref<16xf32, #tpu.memory_space<hbm>>) target(%arg9 : memref<16xf32, #tpu.memory_space<vmem>>) target_semaphore(%run_scoped3A : memref<!tpu.dma_semaphore, #tpu.memory_space<semaphore_mem>>)
      tpu.wait_dma2 semaphore(%run_scoped3A : memref<!tpu.dma_semaphore, #tpu.memory_space<semaphore_mem>>) src(%arg4 : memref<16xf32, #tpu.memory_space<hbm>>) dst(%arg9 : memref<16xf32, #tpu.memory_space<vmem>>)
      tpu.yield
    }) : () -> ()
    %get3A = arith.constant 0 : index
    %get3A_1 = tpu.vector_load %arg9[%get3A] {strides = array<i32>} : memref<16xf32, #tpu.memory_space<vmem>>, vector<16xf32>,
    %iota3A = tpu.iota {dimensions = array<i32: 0>} : vector<16xi32>
    %broadcast_in_dim3A = arith.constant 2 : i32
    %broadcast_in_dim3A_2 = vector.broadcast %broadcast_in_dim3A : i32 to vector<16xi32>
    %mul3A_3 = arith.constant 3200 : i32
    %mul3A_4 = arith.muli %add3A, %mul3A_3 : i32
    %multiple_of3A = tpu.assume_multiple %mul3A_4, 128 : i32
    %lt3A = arith.constant 31 : i32
    %lt3A_5 = arith.cmpi slt, %add3A, %lt3A : i32
    %convert_element_type3A = arith.extui %lt3A_5 : i1 to i32
    %cond3A = arith.constant 0 : i32
    %cond3A_6 = arith.cmpi ne, %convert_element_type3A, %cond3A : i32
    scf.if %cond3A_6 {
      "tpu.region"() ({
        %run_scoped3A = tpu.sem_alloc : memref<!tpu.dma_semaphore, #tpu.memory_space<semaphore_mem>>
        %dma_start3A = arith.constant 0 : i32
        %dma_start3A_18 = tpu.memref_slice %arg7[%dma_start3A] : memref<3200xf32, #tpu.memory_space<vmem>> -> memref<3200xf32, #tpu.memory_space<vmem>>
        %dma_start3A_19 = tpu.memref_slice %arg2[%multiple_of3A] : memref<200704xf32, #tpu.memory_space<hbm>> -> memref<3200xf32, #tpu.memory_space<hbm>>
        %dma_start3A_20 = arith.constant 0 : i32
        %dma_start3A_21 = tpu.memref_slice %arg7[%dma_start3A_20] : memref<3200xf32, #tpu.memory_space<vmem>> -> memref<3200xf32, #tpu.memory_space<vmem>>
        %dma_start3A_22 = tpu.memref_slice %arg2[%multiple_of3A] : memref<200704xf32, #tpu.memory_space<hbm>> -> memref<3200xf32, #tpu.memory_space<hbm>>
        tpu.enqueue_dma source(%dma_start3A_22 : memref<3200xf32, #tpu.memory_space<hbm>>) target(%dma_start3A_21 : memref<3200xf32, #tpu.memory_space<vmem>>) target_semaphore(%run_scoped3A : memref<!tpu.dma_semaphore, #tpu.memory_space<semaphore_mem>>)
        %dma_wait3A = arith.constant 0 : i32
        %dma_wait3A_23 = tpu.memref_slice %arg7[%dma_wait3A] : memref<3200xf32, #tpu.memory_space<vmem>> -> memref<3200xf32, #tpu.memory_space<vmem>>
        %dma_wait3A_24 = tpu.memref_slice %arg2[%multiple_of3A] : memref<200704xf32, #tpu.memory_space<hbm>> -> memref<3200xf32, #tpu.memory_space<hbm>>
        %dma_wait3A_25 = arith.constant 0 : i32
        %dma_wait3A_26 = tpu.memref_slice %arg7[%dma_wait3A_25] : memref<3200xf32, #tpu.memory_space<vmem>> -> memref<3200xf32, #tpu.memory_space<vmem>>
        %dma_wait3A_27 = tpu.memref_slice %arg2[%multiple_of3A] : memref<200704xf32, #tpu.memory_space<hbm>> -> memref<3200xf32, #tpu.memory_space<hbm>>
        tpu.wait_dma2 semaphore(%run_scoped3A : memref<!tpu.dma_semaphore, #tpu.memory_space<semaphore_mem>>) src(%dma_wait3A_27 : memref<3200xf32, #tpu.memory_space<hbm>>) dst(%dma_wait3A_26 : memref<3200xf32, #tpu.memory_space<vmem>>)
        tpu.yield
      }) : () -> ()
      %add3A_11 = arith.constant 100352 : i32
      %add3A_12 = arith.addi %add3A_11, %multiple_of3A : i32
      "tpu.region"() ({
        %run_scoped3A = tpu.sem_alloc : memref<!tpu.dma_semaphore, #tpu.memory_space<semaphore_mem>>
        %dma_start3A = arith.constant 0 : i32
        %dma_start3A_18 = tpu.memref_slice %arg8[%dma_start3A] : memref<3200xf32, #tpu.memory_space<vmem>> -> memref<3200xf32, #tpu.memory_space<vmem>>
        %dma_start3A_19 = tpu.memref_slice %arg2[%add3A_12] : memref<200704xf32, #tpu.memory_space<hbm>> -> memref<3200xf32, #tpu.memory_space<hbm>>
        %dma_start3A_20 = arith.constant 0 : i32
        %dma_start3A_21 = tpu.memref_slice %arg8[%dma_start3A_20] : memref<3200xf32, #tpu.memory_space<vmem>> -> memref<3200xf32, #tpu.memory_space<vmem>>
        %dma_start3A_22 = tpu.memref_slice %arg2[%add3A_12] : memref<200704xf32, #tpu.memory_space<hbm>> -> memref<3200xf32, #tpu.memory_space<hbm>>
        tpu.enqueue_dma source(%dma_start3A_22 : memref<3200xf32, #tpu.memory_space<hbm>>) target(%dma_start3A_21 : memref<3200xf32, #tpu.memory_space<vmem>>) target_semaphore(%run_scoped3A : memref<!tpu.dma_semaphore, #tpu.memory_space<semaphore_mem>>)
        %dma_wait3A = arith.constant 0 : i32
        %dma_wait3A_23 = tpu.memref_slice %arg8[%dma_wait3A] : memref<3200xf32, #tpu.memory_space<vmem>> -> memref<3200xf32, #tpu.memory_space<vmem>>
        %dma_wait3A_24 = tpu.memref_slice %arg2[%add3A_12] : memref<200704xf32, #tpu.memory_space<hbm>> -> memref<3200xf32, #tpu.memory_space<hbm>>
        %dma_wait3A_25 = arith.constant 0 : i32
        %dma_wait3A_26 = tpu.memref_slice %arg8[%dma_wait3A_25] : memref<3200xf32, #tpu.memory_space<vmem>> -> memref<3200xf32, #tpu.memory_space<vmem>>
        %dma_wait3A_27 = tpu.memref_slice %arg2[%add3A_12] : memref<200704xf32, #tpu.memory_space<hbm>> -> memref<3200xf32, #tpu.memory_space<hbm>>
        tpu.wait_dma2 semaphore(%run_scoped3A : memref<!tpu.dma_semaphore, #tpu.memory_space<semaphore_mem>>) src(%dma_wait3A_27 : memref<3200xf32, #tpu.memory_space<hbm>>) dst(%dma_wait3A_26 : memref<3200xf32, #tpu.memory_space<vmem>>)
        tpu.yield
      }) : () -> ()
      "tpu.region"() ({
        %run_scoped3A = tpu.sem_alloc : memref<!tpu.dma_semaphore, #tpu.memory_space<semaphore_mem>>
        %dma_start3A = arith.constant 0 : i32
        %dma_start3A_18 = arith.constant 0 : i32
        %dma_start3A_19 = tpu.memref_slice %arg6[%dma_start3A, %dma_start3A_18] : memref<4x3200xf32, #tpu.memory_space<vmem>> -> memref<4x3200xf32, #tpu.memory_space<vmem>>
        %dma_start3A_20 = arith.constant 0 : i32
        %dma_start3A_21 = tpu.memref_slice %arg3[%dma_start3A_20, %multiple_of3A] : memref<4x100096xf32, #tpu.memory_space<hbm>> -> memref<4x3200xf32, #tpu.memory_space<hbm>>
        %dma_start3A_22 = arith.constant 0 : i32
        %dma_start3A_23 = arith.constant 0 : i32
        %dma_start3A_24 = tpu.memref_slice %arg6[%dma_start3A_22, %dma_start3A_23] : memref<4x3200xf32, #tpu.memory_space<vmem>> -> memref<4x3200xf32, #tpu.memory_space<vmem>>
        %dma_start3A_25 = arith.constant 0 : i32
        %dma_start3A_26 = tpu.memref_slice %arg3[%dma_start3A_25, %multiple_of3A] : memref<4x100096xf32, #tpu.memory_space<hbm>> -> memref<4x3200xf32, #tpu.memory_space<hbm>>
        tpu.enqueue_dma source(%dma_start3A_26 : memref<4x3200xf32, #tpu.memory_space<hbm>>) target(%dma_start3A_24 : memref<4x3200xf32, #tpu.memory_space<vmem>>) target_semaphore(%run_scoped3A : memref<!tpu.dma_semaphore, #tpu.memory_space<semaphore_mem>>)
        %dma_wait3A = arith.constant 0 : i32
        %dma_wait3A_27 = arith.constant 0 : i32
        %dma_wait3A_28 = tpu.memref_slice %arg6[%dma_wait3A, %dma_wait3A_27] : memref<4x3200xf32, #tpu.memory_space<vmem>> -> memref<4x3200xf32, #tpu.memory_space<vmem>>
        %dma_wait3A_29 = arith.constant 0 : i32
        %dma_wait3A_30 = tpu.memref_slice %arg3[%dma_wait3A_29, %multiple_of3A] : memref<4x100096xf32, #tpu.memory_space<hbm>> -> memref<4x3200xf32, #tpu.memory_space<hbm>>
        %dma_wait3A_31 = arith.constant 0 : i32
        %dma_wait3A_32 = arith.constant 0 : i32
        %dma_wait3A_33 = tpu.memref_slice %arg6[%dma_wait3A_31, %dma_wait3A_32] : memref<4x3200xf32, #tpu.memory_space<vmem>> -> memref<4x3200xf32, #tpu.memory_space<vmem>>
        %dma_wait3A_34 = arith.constant 0 : i32
        %dma_wait3A_35 = tpu.memref_slice %arg3[%dma_wait3A_34, %multiple_of3A] : memref<4x100096xf32, #tpu.memory_space<hbm>> -> memref<4x3200xf32, #tpu.memory_space<hbm>>
        tpu.wait_dma2 semaphore(%run_scoped3A : memref<!tpu.dma_semaphore, #tpu.memory_space<semaphore_mem>>) src(%dma_wait3A_35 : memref<4x3200xf32, #tpu.memory_space<hbm>>) dst(%dma_wait3A_33 : memref<4x3200xf32, #tpu.memory_space<vmem>>)
        tpu.yield
      }) : () -> ()
      %scan3A = arith.constant 0 : i32
      %scan3A_13 = arith.constant 0 : i32
      %scan3A_14 = arith.constant 200 : i32
      %scan3A_15 = arith.addi %scan3A_13, %scan3A_14 : i32
      %scan3A_16 = arith.constant 1 : i32
      scf.for %scan3A_18 = %scan3A_13 to %scan3A_15 step %scan3A_16  : i32 {
        %mul3A_19 = arith.constant 16 : i32
        %mul3A_20 = arith.muli %scan3A_18, %mul3A_19 : i32
        %add3A_21 = vector.broadcast %mul3A_20 : i32 to vector<16xi32>
        %add3A_22 = arith.addi %add3A_21, %iota3A : vector<16xi32>
        %gather3A = tpu.vector_load_idx %arg7[%add3A_22] : memref<3200xf32, #tpu.memory_space<vmem>>[vector<16xi32>], vector<16xf32>,
        %gather3A_23 = tpu.vector_load_idx %arg8[%add3A_22] : memref<3200xf32, #tpu.memory_space<vmem>>[vector<16xi32>], vector<16xf32>,
        %add3A_24 = arith.addf %gather3A, %gather3A_23 : vector<16xf32>
        %gather3A_25 = tpu.vector_load_idx %arg6[%broadcast_in_dim3A_2, %add3A_22] : memref<4x3200xf32, #tpu.memory_space<vmem>>[vector<16xi32>, vector<16xi32>], vector<16xf32>,
        %mul3A_26 = arith.mulf %get3A_1, %add3A_24 : vector<16xf32>
        %sub3A = arith.subf %gather3A_25, %mul3A_26 : vector<16xf32>
        tpu.vector_store_idx %arg6[%broadcast_in_dim3A_2, %add3A_22], %sub3A : memref<4x3200xf32, #tpu.memory_space<vmem>>[vector<16xi32>, vector<16xi32>], vector<16xf32>,
      }
      %scan3A_17 = arith.constant 200 : i32
      "tpu.region"() ({
        %run_scoped3A = tpu.sem_alloc : memref<!tpu.dma_semaphore, #tpu.memory_space<semaphore_mem>>
        %dma_start3A = arith.constant 0 : i32
        %dma_start3A_18 = arith.constant 0 : i32
        %dma_start3A_19 = tpu.memref_slice %arg6[%dma_start3A, %dma_start3A_18] : memref<4x3200xf32, #tpu.memory_space<vmem>> -> memref<4x3200xf32, #tpu.memory_space<vmem>>
        %dma_start3A_20 = arith.constant 0 : i32
        %dma_start3A_21 = tpu.memref_slice %arg5[%dma_start3A_20, %multiple_of3A] : memref<4x100096xf32, #tpu.memory_space<hbm>> -> memref<4x3200xf32, #tpu.memory_space<hbm>>
        %dma_start3A_22 = arith.constant 0 : i32
        %dma_start3A_23 = tpu.memref_slice %arg5[%dma_start3A_22, %multiple_of3A] : memref<4x100096xf32, #tpu.memory_space<hbm>> -> memref<4x3200xf32, #tpu.memory_space<hbm>>
        %dma_start3A_24 = arith.constant 0 : i32
        %dma_start3A_25 = arith.constant 0 : i32
        %dma_start3A_26 = tpu.memref_slice %arg6[%dma_start3A_24, %dma_start3A_25] : memref<4x3200xf32, #tpu.memory_space<vmem>> -> memref<4x3200xf32, #tpu.memory_space<vmem>>
        tpu.enqueue_dma source(%dma_start3A_26 : memref<4x3200xf32, #tpu.memory_space<vmem>>) target(%dma_start3A_23 : memref<4x3200xf32, #tpu.memory_space<hbm>>) target_semaphore(%run_scoped3A : memref<!tpu.dma_semaphore, #tpu.memory_space<semaphore_mem>>)
        %dma_wait3A = arith.constant 0 : i32
        %dma_wait3A_27 = arith.constant 0 : i32
        %dma_wait3A_28 = tpu.memref_slice %arg6[%dma_wait3A, %dma_wait3A_27] : memref<4x3200xf32, #tpu.memory_space<vmem>> -> memref<4x3200xf32, #tpu.memory_space<vmem>>
        %dma_wait3A_29 = arith.constant 0 : i32
        %dma_wait3A_30 = tpu.memref_slice %arg5[%dma_wait3A_29, %multiple_of3A] : memref<4x100096xf32, #tpu.memory_space<hbm>> -> memref<4x3200xf32, #tpu.memory_space<hbm>>
        %dma_wait3A_31 = arith.constant 0 : i32
        %dma_wait3A_32 = tpu.memref_slice %arg5[%dma_wait3A_31, %multiple_of3A] : memref<4x100096xf32, #tpu.memory_space<hbm>> -> memref<4x3200xf32, #tpu.memory_space<hbm>>
        %dma_wait3A_33 = arith.constant 0 : i32
        %dma_wait3A_34 = arith.constant 0 : i32
        %dma_wait3A_35 = tpu.memref_slice %arg6[%dma_wait3A_33, %dma_wait3A_34] : memref<4x3200xf32, #tpu.memory_space<vmem>> -> memref<4x3200xf32, #tpu.memory_space<vmem>>
        tpu.wait_dma2 semaphore(%run_scoped3A : memref<!tpu.dma_semaphore, #tpu.memory_space<semaphore_mem>>) src(%dma_wait3A_35 : memref<4x3200xf32, #tpu.memory_space<vmem>>) dst(%dma_wait3A_32 : memref<4x3200xf32, #tpu.memory_space<hbm>>)
        tpu.yield
      }) : () -> ()
    } else {
    }
    %eq3A = arith.constant 31 : i32
    %eq3A_7 = arith.cmpi eq, %add3A, %eq3A : i32
    %convert_element_type3A_8 = arith.extui %eq3A_7 : i1 to i32
    %cond3A_9 = arith.constant 0 : i32
    %cond3A_10 = arith.cmpi ne, %convert_element_type3A_8, %cond3A_9 : i32
    scf.if %cond3A_10 {
      "tpu.region"() ({
        %run_scoped3A = tpu.sem_alloc : memref<!tpu.dma_semaphore, #tpu.memory_space<semaphore_mem>>
        %dma_start3A = arith.constant 0 : i32
        %dma_start3A_18 = tpu.memref_slice %arg7[%dma_start3A] : memref<3200xf32, #tpu.memory_space<vmem>> -> memref<896xf32, #tpu.memory_space<vmem>>
        %dma_start3A_19 = tpu.memref_slice %arg2[%multiple_of3A] : memref<200704xf32, #tpu.memory_space<hbm>> -> memref<896xf32, #tpu.memory_space<hbm>>
        %dma_start3A_20 = arith.constant 0 : i32
        %dma_start3A_21 = tpu.memref_slice %arg7[%dma_start3A_20] : memref<3200xf32, #tpu.memory_space<vmem>> -> memref<896xf32, #tpu.memory_space<vmem>>
        %dma_start3A_22 = tpu.memref_slice %arg2[%multiple_of3A] : memref<200704xf32, #tpu.memory_space<hbm>> -> memref<896xf32, #tpu.memory_space<hbm>>
        tpu.enqueue_dma source(%dma_start3A_22 : memref<896xf32, #tpu.memory_space<hbm>>) target(%dma_start3A_21 : memref<896xf32, #tpu.memory_space<vmem>>) target_semaphore(%run_scoped3A : memref<!tpu.dma_semaphore, #tpu.memory_space<semaphore_mem>>)
        %dma_wait3A = arith.constant 0 : i32
        %dma_wait3A_23 = tpu.memref_slice %arg7[%dma_wait3A] : memref<3200xf32, #tpu.memory_space<vmem>> -> memref<896xf32, #tpu.memory_space<vmem>>
        %dma_wait3A_24 = tpu.memref_slice %arg2[%multiple_of3A] : memref<200704xf32, #tpu.memory_space<hbm>> -> memref<896xf32, #tpu.memory_space<hbm>>
        %dma_wait3A_25 = arith.constant 0 : i32
        %dma_wait3A_26 = tpu.memref_slice %arg7[%dma_wait3A_25] : memref<3200xf32, #tpu.memory_space<vmem>> -> memref<896xf32, #tpu.memory_space<vmem>>
        %dma_wait3A_27 = tpu.memref_slice %arg2[%multiple_of3A] : memref<200704xf32, #tpu.memory_space<hbm>> -> memref<896xf32, #tpu.memory_space<hbm>>
        tpu.wait_dma2 semaphore(%run_scoped3A : memref<!tpu.dma_semaphore, #tpu.memory_space<semaphore_mem>>) src(%dma_wait3A_27 : memref<896xf32, #tpu.memory_space<hbm>>) dst(%dma_wait3A_26 : memref<896xf32, #tpu.memory_space<vmem>>)
        tpu.yield
      }) : () -> ()
      %add3A_11 = arith.constant 100352 : i32
      %add3A_12 = arith.addi %add3A_11, %multiple_of3A : i32
      "tpu.region"() ({
        %run_scoped3A = tpu.sem_alloc : memref<!tpu.dma_semaphore, #tpu.memory_space<semaphore_mem>>
        %dma_start3A = arith.constant 0 : i32
        %dma_start3A_18 = tpu.memref_slice %arg8[%dma_start3A] : memref<3200xf32, #tpu.memory_space<vmem>> -> memref<896xf32, #tpu.memory_space<vmem>>
        %dma_start3A_19 = tpu.memref_slice %arg2[%add3A_12] : memref<200704xf32, #tpu.memory_space<hbm>> -> memref<896xf32, #tpu.memory_space<hbm>>
        %dma_start3A_20 = arith.constant 0 : i32
        %dma_start3A_21 = tpu.memref_slice %arg8[%dma_start3A_20] : memref<3200xf32, #tpu.memory_space<vmem>> -> memref<896xf32, #tpu.memory_space<vmem>>
        %dma_start3A_22 = tpu.memref_slice %arg2[%add3A_12] : memref<200704xf32, #tpu.memory_space<hbm>> -> memref<896xf32, #tpu.memory_space<hbm>>
        tpu.enqueue_dma source(%dma_start3A_22 : memref<896xf32, #tpu.memory_space<hbm>>) target(%dma_start3A_21 : memref<896xf32, #tpu.memory_space<vmem>>) target_semaphore(%run_scoped3A : memref<!tpu.dma_semaphore, #tpu.memory_space<semaphore_mem>>)
        %dma_wait3A = arith.constant 0 : i32
        %dma_wait3A_23 = tpu.memref_slice %arg8[%dma_wait3A] : memref<3200xf32, #tpu.memory_space<vmem>> -> memref<896xf32, #tpu.memory_space<vmem>>
        %dma_wait3A_24 = tpu.memref_slice %arg2[%add3A_12] : memref<200704xf32, #tpu.memory_space<hbm>> -> memref<896xf32, #tpu.memory_space<hbm>>
        %dma_wait3A_25 = arith.constant 0 : i32
        %dma_wait3A_26 = tpu.memref_slice %arg8[%dma_wait3A_25] : memref<3200xf32, #tpu.memory_space<vmem>> -> memref<896xf32, #tpu.memory_space<vmem>>
        %dma_wait3A_27 = tpu.memref_slice %arg2[%add3A_12] : memref<200704xf32, #tpu.memory_space<hbm>> -> memref<896xf32, #tpu.memory_space<hbm>>
        tpu.wait_dma2 semaphore(%run_scoped3A : memref<!tpu.dma_semaphore, #tpu.memory_space<semaphore_mem>>) src(%dma_wait3A_27 : memref<896xf32, #tpu.memory_space<hbm>>) dst(%dma_wait3A_26 : memref<896xf32, #tpu.memory_space<vmem>>)
        tpu.yield
      }) : () -> ()
      "tpu.region"() ({
        %run_scoped3A = tpu.sem_alloc : memref<!tpu.dma_semaphore, #tpu.memory_space<semaphore_mem>>
        %dma_start3A = arith.constant 0 : i32
        %dma_start3A_18 = arith.constant 0 : i32
        %dma_start3A_19 = tpu.memref_slice %arg6[%dma_start3A, %dma_start3A_18] : memref<4x3200xf32, #tpu.memory_space<vmem>> -> memref<4x896xf32, #tpu.memory_space<vmem>>
        %dma_start3A_20 = arith.constant 0 : i32
        %dma_start3A_21 = tpu.memref_slice %arg3[%dma_start3A_20, %multiple_of3A] : memref<4x100096xf32, #tpu.memory_space<hbm>> -> memref<4x896xf32, #tpu.memory_space<hbm>>
        %dma_start3A_22 = arith.constant 0 : i32
        %dma_start3A_23 = arith.constant 0 : i32
        %dma_start3A_24 = tpu.memref_slice %arg6[%dma_start3A_22, %dma_start3A_23] : memref<4x3200xf32, #tpu.memory_space<vmem>> -> memref<4x896xf32, #tpu.memory_space<vmem>>
        %dma_start3A_25 = arith.constant 0 : i32
        %dma_start3A_26 = tpu.memref_slice %arg3[%dma_start3A_25, %multiple_of3A] : memref<4x100096xf32, #tpu.memory_space<hbm>> -> memref<4x896xf32, #tpu.memory_space<hbm>>
        tpu.enqueue_dma source(%dma_start3A_26 : memref<4x896xf32, #tpu.memory_space<hbm>>) target(%dma_start3A_24 : memref<4x896xf32, #tpu.memory_space<vmem>>) target_semaphore(%run_scoped3A : memref<!tpu.dma_semaphore, #tpu.memory_space<semaphore_mem>>)
        %dma_wait3A = arith.constant 0 : i32
        %dma_wait3A_27 = arith.constant 0 : i32
        %dma_wait3A_28 = tpu.memref_slice %arg6[%dma_wait3A, %dma_wait3A_27] : memref<4x3200xf32, #tpu.memory_space<vmem>> -> memref<4x896xf32, #tpu.memory_space<vmem>>
        %dma_wait3A_29 = arith.constant 0 : i32
        %dma_wait3A_30 = tpu.memref_slice %arg3[%dma_wait3A_29, %multiple_of3A] : memref<4x100096xf32, #tpu.memory_space<hbm>> -> memref<4x896xf32, #tpu.memory_space<hbm>>
        %dma_wait3A_31 = arith.constant 0 : i32
        %dma_wait3A_32 = arith.constant 0 : i32
        %dma_wait3A_33 = tpu.memref_slice %arg6[%dma_wait3A_31, %dma_wait3A_32] : memref<4x3200xf32, #tpu.memory_space<vmem>> -> memref<4x896xf32, #tpu.memory_space<vmem>>
        %dma_wait3A_34 = arith.constant 0 : i32
        %dma_wait3A_35 = tpu.memref_slice %arg3[%dma_wait3A_34, %multiple_of3A] : memref<4x100096xf32, #tpu.memory_space<hbm>> -> memref<4x896xf32, #tpu.memory_space<hbm>>
        tpu.wait_dma2 semaphore(%run_scoped3A : memref<!tpu.dma_semaphore, #tpu.memory_space<semaphore_mem>>) src(%dma_wait3A_35 : memref<4x896xf32, #tpu.memory_space<hbm>>) dst(%dma_wait3A_33 : memref<4x896xf32, #tpu.memory_space<vmem>>)
        tpu.yield
      }) : () -> ()
      %scan3A = arith.constant 0 : i32
      %scan3A_13 = arith.constant 0 : i32
      %scan3A_14 = arith.constant 56 : i32
      %scan3A_15 = arith.addi %scan3A_13, %scan3A_14 : i32
      %scan3A_16 = arith.constant 1 : i32
      scf.for %scan3A_18 = %scan3A_13 to %scan3A_15 step %scan3A_16  : i32 {
        %mul3A_19 = arith.constant 16 : i32
        %mul3A_20 = arith.muli %scan3A_18, %mul3A_19 : i32
        %add3A_21 = vector.broadcast %mul3A_20 : i32 to vector<16xi32>
        %add3A_22 = arith.addi %add3A_21, %iota3A : vector<16xi32>
        %gather3A = tpu.vector_load_idx %arg7[%add3A_22] : memref<3200xf32, #tpu.memory_space<vmem>>[vector<16xi32>], vector<16xf32>,
        %gather3A_23 = tpu.vector_load_idx %arg8[%add3A_22] : memref<3200xf32, #tpu.memory_space<vmem>>[vector<16xi32>], vector<16xf32>,
        %add3A_24 = arith.addf %gather3A, %gather3A_23 : vector<16xf32>
        %gather3A_25 = tpu.vector_load_idx %arg6[%broadcast_in_dim3A_2, %add3A_22] : memref<4x3200xf32, #tpu.memory_space<vmem>>[vector<16xi32>, vector<16xi32>], vector<16xf32>,
        %mul3A_26 = arith.mulf %get3A_1, %add3A_24 : vector<16xf32>
        %sub3A = arith.subf %gather3A_25, %mul3A_26 : vector<16xf32>
        tpu.vector_store_idx %arg6[%broadcast_in_dim3A_2, %add3A_22], %sub3A : memref<4x3200xf32, #tpu.memory_space<vmem>>[vector<16xi32>, vector<16xi32>], vector<16xf32>,
      }
      %scan3A_17 = arith.constant 56 : i32
      "tpu.region"() ({
        %run_scoped3A = tpu.sem_alloc : memref<!tpu.dma_semaphore, #tpu.memory_space<semaphore_mem>>
        %dma_start3A = arith.constant 0 : i32
        %dma_start3A_18 = arith.constant 0 : i32
        %dma_start3A_19 = tpu.memref_slice %arg6[%dma_start3A, %dma_start3A_18] : memref<4x3200xf32, #tpu.memory_space<vmem>> -> memref<4x896xf32, #tpu.memory_space<vmem>>
        %dma_start3A_20 = arith.constant 0 : i32
        %dma_start3A_21 = tpu.memref_slice %arg5[%dma_start3A_20, %multiple_of3A] : memref<4x100096xf32, #tpu.memory_space<hbm>> -> memref<4x896xf32, #tpu.memory_space<hbm>>
        %dma_start3A_22 = arith.constant 0 : i32
        %dma_start3A_23 = tpu.memref_slice %arg5[%dma_start3A_22, %multiple_of3A] : memref<4x100096xf32, #tpu.memory_space<hbm>> -> memref<4x896xf32, #tpu.memory_space<hbm>>
        %dma_start3A_24 = arith.constant 0 : i32
        %dma_start3A_25 = arith.constant 0 : i32
        %dma_start3A_26 = tpu.memref_slice %arg6[%dma_start3A_24, %dma_start3A_25] : memref<4x3200xf32, #tpu.memory_space<vmem>> -> memref<4x896xf32, #tpu.memory_space<vmem>>
        tpu.enqueue_dma source(%dma_start3A_26 : memref<4x896xf32, #tpu.memory_space<vmem>>) target(%dma_start3A_23 : memref<4x896xf32, #tpu.memory_space<hbm>>) target_semaphore(%run_scoped3A : memref<!tpu.dma_semaphore, #tpu.memory_space<semaphore_mem>>)
        %dma_wait3A = arith.constant 0 : i32
        %dma_wait3A_27 = arith.constant 0 : i32
        %dma_wait3A_28 = tpu.memref_slice %arg6[%dma_wait3A, %dma_wait3A_27] : memref<4x3200xf32, #tpu.memory_space<vmem>> -> memref<4x896xf32, #tpu.memory_space<vmem>>
        %dma_wait3A_29 = arith.constant 0 : i32
        %dma_wait3A_30 = tpu.memref_slice %arg5[%dma_wait3A_29, %multiple_of3A] : memref<4x100096xf32, #tpu.memory_space<hbm>> -> memref<4x896xf32, #tpu.memory_space<hbm>>
        %dma_wait3A_31 = arith.constant 0 : i32
        %dma_wait3A_32 = tpu.memref_slice %arg5[%dma_wait3A_31, %multiple_of3A] : memref<4x100096xf32, #tpu.memory_space<hbm>> -> memref<4x896xf32, #tpu.memory_space<hbm>>
        %dma_wait3A_33 = arith.constant 0 : i32
        %dma_wait3A_34 = arith.constant 0 : i32
        %dma_wait3A_35 = tpu.memref_slice %arg6[%dma_wait3A_33, %dma_wait3A_34] : memref<4x3200xf32, #tpu.memory_space<vmem>> -> memref<4x896xf32, #tpu.memory_space<vmem>>
        tpu.wait_dma2 semaphore(%run_scoped3A : memref<!tpu.dma_semaphore, #tpu.memory_space<semaphore_mem>>) src(%dma_wait3A_35 : memref<4x896xf32, #tpu.memory_space<vmem>>) dst(%dma_wait3A_32 : memref<4x896xf32, #tpu.memory_space<hbm>>)
        tpu.yield
      }) : () -> ()
    } else {
    }
    return
  }
}

</mosaic_0001>

<sc_bundles>
// kernel: kernel.4.cloned.1.call-start
scs
__scs_entry_jumppad:
0x0: {  	(pc) =	sbr.rel $0x88, $3  }
0x1: {  	(tag) =	ssettag $0x0;
	lr =	simm.s32 $0x1  }
0x2: {  	[smem:$0x3F9D] =	sst lr;
	_ =	strace $0xD0000000  }
0x3: {  	_ = 	snop  }
0x4: {  	_ = 	snop  }
0x5: {  	_ = 	snop  }
0x6: {  	_ = 	snop  }
0x7: {  	_ = 	snop  }
__scs_overlays_trampoline_lowered:
0x8: {  	[smem:$0x3FAC] =	sst s0  }
0x9: {  	[smem:$0x3FAD] =	sst s1  }
0xa: {  	[smem:$0x3FAE] =	sst s2  }
0xb: {  	[smem:$0x3FAF] =	sst s3  }
0xc: {  	[smem:$0x3FB0] =	sst s4  }
0xd: {  	[smem:$0x3FB1] =	sst s5  }
0xe: {  	[smem:$0x3FB2] =	sst s6  }
0xf: {  	[smem:$0x3FB3] =	sst s7  }
0x10: {  	[smem:$0x3FB4] =	sst s8  }
0x11: {  	[smem:$0x3FB5] =	sst s9;
	s0 =	simm.s32 @!p0 $0x0  }
0x12: {  	s1 =	sld [smem:$0x3F9B];
	s0 =	simm.s32 @p0 $0x1  }
0x13: {  	[smem:$0x3FB6] =	sst s0;
	s0 =	simm.s32 @!p1 $0x0  }
0x14: {  	s2 =	sld [smem:$0x3F9A];
	s0 =	simm.s32 @p1 $0x1  }
0x15: {  	[smem:$0x3FB7] =	sst s0;
	s0 =	simm.s32 @!p2 $0x0  }
0x16: {  	s3 =	sld [smem:$0x3FDB];
	s0 =	simm.s32 @p2 $0x1  }
0x17: {  	s4 =	simm.s32 $0x1BF5;
	[smem:$0x3FB9] =	sst s0  }
0x18: {  	s0 =	sld [smem:$0x3F9C];
	_ =	swait.ge [sflag:s4], $0x0  }
0x19: {  	s7 =	sld [smem:$0x3F9D]  }
0x1a: {  	s8 =	sadd.s32 $0xFFFFE003, lr  }
0x1b: {  	s9 =	sadd.s32 $0xFFFFFEF7, lr;
	s5 =	simm.s32 $0xFFFFFFFF;
	p2 =	slt.u32 s8, $0xFFFFF086  }
0x1c: {  	p1 =	slt.u32 s9, $0xF7A;
	s5 =	simm.s32 @!p2 $0x0  }
0x1d: {  	s5 =	simm.s32 @p1 $0x1;
	p0 =	seq.s32 s7, s2  }
0x1e: {  	s7 =	smul.u32 @!p0 $0xF7A, s2;
	p2 =	seq.s32 @!p0 s5, $0x0  }
0x1f: {  	s9 =	smul.u32 $0xF7A, s1;
	s8 =	simm.s32 @!p0 $0x1BF5;
	p2 =	por !p2, p0  }
0x20: {  	[sflag:s8] =	ssyncset.s32 @!p0 $0xFFFFF086;
	s6 =	sadd.s32 @!p0 s3, s7;
	s7 =	simm.s32 @!p0 $0x108  }
0x21: {  	s3 =	sadd.s32 s3, s9;
	s6 =	sadd.s32 @!p0 $0x88, s6;
	s7 =	simm.s32 @p2 $0x1082  }
0x22: {  	[simem:s7], [sflag:s8] =	dma.local @!p0 [hbm:s6], $0xF7A  }
0x23: {  	s9 =	sor.u32 $0xD0000000, s2;
	s6 =	simm.s32 $0x108;
	_ =	swait.ge @!p0 [sflag:s8], $0x0  }
0x24: {  	s3 =	sadd.s32 $0x88, s3;
	s6 =	simm.s32 @!p1 $0x1082;
	[sflag:s4] =	ssyncset.s32 $0xFFFFF086  }
0x25: {  	[simem:s6], [sflag:s4] =	dma.local [hbm:s3], $0xF7A  }
0x26: {  	[smem:$0x3F9D] =	sst s1;
	(tag) =	ssettag s2;
	_ =	strace s9  }
0x27: {  	s1 =	sld [smem:$0x3FAD]  }
0x28: {  	s2 =	sld [smem:$0x3FAE]  }
0x29: {  	s4 =	sld [smem:$0x3FB0]  }
0x2a: {  	p0 =	seq.s32 s5, $0x0;
	s5 =	sld [smem:$0x3FB1]  }
0x2b: {  	s6 =	sld [smem:$0x3FB2]  }
0x2c: {  	s7 =	sld [smem:$0x3FB3]  }
0x2d: {  	s3 =	simm.s32 $0x108;
	s8 =	sld [smem:$0x3FB4]  }
0x2e: {  	s3 =	simm.s32 @!p0 $0x1082;
	s9 =	sld [smem:$0x3FB5]  }
0x2f: {  	lr =	sadd.s32 s0, s3;
	s0 =	sld [smem:$0x3FAC]  }
0x30: {  	s3 =	sld [smem:$0x3FAF]  }
0x31: {  	[smem:$0x3FB8] =	sst s10  }
0x32: {  	s10 =	sld [smem:$0x3FB6];
	_ =	sdelay $0x3  }
0x33: {  	p0 =	seq.s32 s10, $0x1;
	s10 =	sld [smem:$0x3FB8];
	_ =	sdelay $0x3  }
0x34: {  	[smem:$0x3FB8] =	sst s10  }
0x35: {  	s10 =	sld [smem:$0x3FB7];
	_ =	sdelay $0x3  }
0x36: {  	p1 =	seq.s32 s10, $0x1;
	s10 =	sld [smem:$0x3FB8];
	_ =	sdelay $0x3  }
0x37: {  	[smem:$0x3FB8] =	sst s10  }
0x38: {  	s10 =	sld [smem:$0x3FB9]  }
0x39: {  	_ = 	snop;
	(pc) =	sbr.ind lr, $3  }
0x3a: {  	_ = 	snop  }
0x3b: {  	_ = 	snop  }
0x3c: {  	p2 =	seq.s32 s10, $0x1;
	s10 =	sld [smem:$0x3FB8]  }
0x3d: {  	_ =	shalt  }
0x3e: {  	_ =	shalt  }
0x3f: {  	_ =	shalt  }
0x40: {  	_ =	shalt  }
0x41: {  	_ =	shalt  }
0x42: {  	_ =	shalt  }
0x43: {  	_ =	shalt  }
0x44: {  	_ =	shalt  }
0x45: {  	_ =	shalt  }
0x46: {  	_ =	shalt  }
0x47: {  	_ =	shalt  }
0x48: {  	_ =	shalt  }
0x49: {  	_ =	shalt  }
0x4a: {  	_ =	shalt  }
0x4b: {  	_ =	shalt  }
0x4c: {  	_ =	shalt  }
0x4d: {  	_ =	shalt  }
0x4e: {  	_ =	shalt  }
0x4f: {  	_ =	shalt  }
0x50: {  	_ =	shalt  }
0x51: {  	_ =	shalt  }
0x52: {  	_ =	shalt  }
0x53: {  	_ =	shalt  }
0x54: {  	_ =	shalt  }
0x55: {  	_ =	shalt  }
0x56: {  	_ =	shalt  }
0x57: {  	_ =	shalt  }
0x58: {  	_ =	shalt  }
0x59: {  	_ =	shalt  }
0x5a: {  	_ =	shalt  }
0x5b: {  	_ =	shalt  }
0x5c: {  	_ =	shalt  }
0x5d: {  	_ =	shalt  }
0x5e: {  	_ =	shalt  }
0x5f: {  	_ =	shalt  }
0x60: {  	_ =	shalt  }
0x61: {  	_ =	shalt  }
0x62: {  	_ =	shalt  }
0x63: {  	_ =	shalt  }
0x64: {  	_ =	shalt  }
0x65: {  	_ =	shalt  }
0x66: {  	_ =	shalt  }
0x67: {  	_ =	shalt  }
0x68: {  	_ =	shalt  }
0x69: {  	_ =	shalt  }
0x6a: {  	_ =	shalt  }
0x6b: {  	_ =	shalt  }
0x6c: {  	_ =	shalt  }
0x6d: {  	_ =	shalt  }
0x6e: {  	_ =	shalt  }
0x6f: {  	_ =	shalt  }
0x70: {  	_ =	shalt  }
0x71: {  	_ =	shalt  }
0x72: {  	_ =	shalt  }
0x73: {  	_ =	shalt  }
0x74: {  	_ =	shalt  }
0x75: {  	_ =	shalt  }
0x76: {  	_ =	shalt  }
0x77: {  	_ =	shalt  }
0x78: {  	_ =	shalt  }
0x79: {  	_ =	shalt  }
0x7a: {  	_ =	shalt  }
0x7b: {  	_ =	shalt  }
0x7c: {  	_ =	shalt  }
0x7d: {  	_ =	shalt  }
0x7e: {  	_ =	shalt  }
0x7f: {  	_ =	shalt  }
0x80: {  	_ =	shalt  }
0x81: {  	_ =	shalt  }
0x82: {  	_ =	shalt  }
0x83: {  	_ =	shalt  }
0x84: {  	_ =	shalt  }
0x85: {  	_ =	shalt  }
0x86: {  	_ =	shalt  }
0x87: {  	_ =	shalt  }
.Lfunc_end0:
.L_simem_size_0:
called_computation_lowered:
.L_overlay_start_0:
0x88: {  	s2 =	sld [smem:$0x3FD9]  }
0x89: {  	s3 =	sld [smem:$0x3FFE];
	_ =	sdelay $0x1  }
0x8a: {  	s1 =	srdreg.scid  }
0x8b: {  	s0 =	sand.u32 $0x1, s1  }
0x8c: {  	s17 =	sshll.u32 s0, $0xA;
	s2 =	sadd.s32 s3, s2  }
0x8d: {  	s2 =	sadd.s32 s2, s17  }
0x8e: {  	[smem:$0x3FC4] =	sst s2  }
0x8f: {  	_ = 	snop  }
0x90: {  	s2 =	sld [smem:$0x3FC7];
	(tm) =	ssettm $0x1  }
0x91: {  	s18 =	sld [smem:$0x3FFB];
	_ =	sdelay $0x3  }
0x92: {  	_ =	strace s18  }
0x93: {  	s3 =	sld [smem:$0x3FFC];
	_ =	sdelay $0x3  }
0x94: {  	_ =	strace s3  }
0x95: {  	s3 =	sld [smem:$0x3FFD];
	_ =	sdelay $0x3  }
0x96: {  	_ =	strace s3  }
0x97: {  	_ =	strace $0x8FFFFFFF  }
0x98: {  	s19 =	sld [smem:$0x3FDB];
	_ =	sdelay $0x1  }
0x99: {  	s4 =	simm.s32 $_scs_section_size  }
0x9a: {  	s5 =	simm.s32 $_size__tile_overlayer_lowered;
	s6 =	simm.s32 $_tile_overlayer_lowered  }
0x9b: {  	s22 =	simm.s32 $0x1BFF;
	s21 =	sshll.u32 s6, $0x1;
	s3 =	sadd.s32 s4, s19  }
0x9c: {  	s7 =	simm.s32 $0x0;
	s20 =	sshll.u32 s5, $0x1;
	s5 =	sadd.s32 s21, s3  }
0x9d: {  	[timem:s7], [sflag:s22] =	dma.local [hbm:s5], s20  }
0x9e: {  	_ =	swait.ge [sflag:s22], s20  }
0x9f: {  	s4 =	ssub.s32 $0x0, s20;
	[sflag:s22] =	ssyncset.done $0x0  }
0xa0: {  	[sflag:s22] =	ssyncadd.s32 s4;
	_ =	sdelay $0x1  }
0xa1: {  	s23 =	simm.s32 $0x1B8B  }
0xa2: {  	_ =	swait.ge [sflag:s23], $0x1  }
0xa3: {  	[sflag:s23] =	ssyncset.done $0x0  }
0xa4: {  	s25 =	simm.s32 $0x1B8E;
	s24 =	sld [smem:$0x3FFE];
	[sflag:s23] =	ssyncadd.s32 $0xFFFFFFFF  }
0xa5: {  	s26 =	simm.s32 $execute0_lowered;
	[smem:$0x3FD2] =	sst s25  }
0xa6: {  	s5 =	sshll.u32 s26, $0x1;
	_ =	strace $0x80000046;
	[dreg:$0x1] =	wrdreg $0xFFFFFFFF  }
0xa7: {  	s28 =	simm.s32 $_size_execute0_lowered;
	s3 =	sadd.s32 s3, s5;
	[dreg:$0x0] =	wrdreg $0x0  }
0xa8: {  	s5 =	sshll.u32 s28, $0x1;
	[dreg:$0x2] =	wrdreg s3  }
0xa9: {  	[dreg:$0x3] =	wrdreg s5  }
0xaa: {  	[dreg:$0x4] =	wrdreg $0xC0  }
0xab: {  	_ =	task [dreg:s7], $0x5FFFF  }
0xac: {  	[dreg:$0x1] =	wrdreg $0xFFFFFFFF  }
0xad: {  	[dreg:$0x0] =	wrdreg $0x60  }
0xae: {  	[dreg:$0x2] =	wrdreg s24  }
0xaf: {  	[dreg:$0x3] =	wrdreg s2  }
0xb0: {  	[dreg:$0x4] =	wrdreg $0x188000  }
0xb1: {  	[dreg:$0x5] =	wrdreg $0x9  }
0xb2: {  	_ =	task.clear_ibuf [dreg:s7], $0x6FFFF;
	_ =	strace $0x90000046  }
0xb3: {  	s29 =	simm.s32 $0x9;
	_ =	strace $0x80000048  }
0xb4: {  	_ =	swait.ge [sflag:s29], $0x1  }
0xb5: {  	[sflag:s29] =	ssyncadd.s32 $0xFFFFFFFF  }
0xb6: {  	_ =	strace $0x90000048  }
0xb7: {  	_ =	sfence  }
0xb8: {  	s30 =	sld [smem:$0x0];
	_ =	sdelay $0x2  }
0xb9: {  	s31 =	sshll.u32 s1, $0xD;
	s1 =	sshrl.u32 s1, $0x2  }
0xba: {  	s3 =	sand.u32 $0x4000, s31;
	s1 =	sadd.s32 s1, s30  }
0xbb: {  	s0 =	sor.u32 s3, s0;
	s1 =	sshll.u32 s1, $0x11  }
0xbc: {  	s0 =	sor.u32 s1, s0  }
0xbd: {  	s0 =	sadd.s32 $0x8F2B, s0  }
0xbe: {  	[sflag:s0] =	ssyncadd.remote.s32 $0x1  }
0xbf: {  	_ =	sfence.sel $0xFFFF  }
0xc0: {  	[dreg:$0x0] =	wrdreg $0xFFFFFFFF;
	(pc) =	sbr.abs _section_cstart, $3  }
0xc1: {  	[dreg:$0x1] =	wrdreg $0xFFFFFFFF  }
0xc2: {  	_ =	task.clear_ibuf [dreg:s7], $0x2FFFF;
	_ =	strace $0x9FFFFFFF  }
0xc3: {  	(tm) =	ssettm $0x7FFFFFFF  }
tec
execute0_lowered:
.L_overlay_start_1:
0x0: {  	(tag) =	ssettag $0x1  }
0x1: {  	s0 =	rddreg [dreg:$0x0]  }
0x2: {  	s1 =	rddreg [dreg:$0x1]  }
0x3: {  	s2 =	rddreg [dreg:$0x2]  }
0x4: {  	s22 =	rddreg [dreg:$0x3]  }
0x5: {  	s3 =	simm.s32 $0x0;
	s4 =	srdreg.scid;
	s24 =	stileid.u32  }
0x6: {  	s14 =	simm.s32 $0x1;
	s20 =	simm.s32 $0x2;
	s19 =	simm.s32 $0x4  }
0x7: {  	p1 =	por $0x0, $0x0;
	s4 =	sand.u32 $0x1, s4;
	s5 =	smul.u32 $0x1880, s24  }
0x8: {  	s6 =	sshll.u32 s24, $0x1;
	[smem:$0x7FF] =	sst s3;
	s10 =	sadd.s32 $0xC00, s0  }
0x9: {  	s7 =	sadd.s32 $0x62800, s0;
	s28 =	sshll.u32 s24, $0x6;
	s16 =	sadd.s32 $0x61FC0, s0  }
0xa: {  	s15 =	sadd.s32 $0x613C0, s1;
	s8 =	smul.u32 $0x18800, s4;
	s6 =	sor.u32 s4, s6  }
0xb: {  	_ =	strace $0x80000047;
	s4 =	ssub.s32 $0x2, s4;
	s9 =	smul.u32 $0x18800, s6  }
0xc: {  	s11 =	sshrl.u32 s4, $0x1;
	s23 =	sadd.s32 s5, s2;
	p0 =	seq.s32 s6, $0x1F  }
0xd: {  	s6 =	simm.s32 $0x5;
	s8 =	sadd.s32 s5, s8;
	s13 =	ssub.s32 s4, s11  }
0xe: {  	s5 =	sshrl.u32 s5, $0x3;
	[dreg:$0x6] =	wrdreg s23;
	s4 =	sor.u32 $0x1C05, s28  }
0xf: {  	s9 =	sshrl.u32 s9, $0x3;
	s25 =	sadd.s32 s7, s5;
	s31 =	smax.u32 s13, $0x1  }
0x10: {  	s12 =	sadd.s32 s10, s9;
	s21 =	sadd.s32 s1, s9;
	s26 =	sadd.s32 $0xC40, s9  }
0x11: {  	s30 =	sadd.s32 $0x1880, s9;
	s9 =	sadd.s32 $0x24C0, s9;
	s5 =	sadd.s32 s1, s26  }
0x12: {  	s18 =	sadd.s32 s1, s30;
	s11 =	sadd.s32 s1, s9;
	s1 =	sadd.s32 $0xFFFFFFFF, s31  }
0x13: {  	s8 =	sshrl.u32 s8, $0x3;
	[dreg:$0x7] =	wrdreg s25;
	p2 =	sne.s32 s1, $0x0  }
.Ltmp0:
0x14: {  	s13 =	simm.s32 $0x3;
	[dreg:$0x4] =	wrdreg s12;
	(pc) =	sbr.rel @!p2 .LBB2_5-.Ltmp0, $4  }
0x15: {  	s8 =	sadd.s32 s8, s0;
	[dreg:$0x5] =	wrdreg s21;
	s29 =	sadd.s32 s10, s26  }
0x16: {  	s17 =	sadd.s32 s10, s30;
	s12 =	sadd.s32 s10, s9;
	s23 =	rddreg [dreg:$0x7]  }
0x17: {  	s10 =	simm.s32 $0xC400;
	s9 =	simm.s32 $0x12600;
	[dreg:$0x8] =	wrdreg s29  }
0x18: {  	[dreg:$0x9] =	wrdreg s5;
	s5 =	sadd.s32 $0x65A00, s8;
	s8 =	simm.s32 $0x6200  }
0x19: {  	s0 =	rddreg [dreg:$0x4]  }
0x1a: {  	s21 =	rddreg [dreg:$0x6]  }
0x1b: {  	[tilespmem:s3], [sflag:$0x1] =	stream.linear.gather [hbm4b:s0+s3], $0x6200, $0x38;
	[tilespmem:$0x1A080] =	vst v63  }
0x1c: {  	s24 =	rddreg [dreg:$0x5];
	s22 =	sshrl.u32 s21, $0x3  }
0x1d: {  	[tilespmem:s10], [sflag:$0x3] =	stream.linear.gather [hbm4b:s24+s3], $0x6200, $0x38;
	[tilespmem:$0x1A080] =	vst v63  }
0x1e: {  	[spmem:s22], [sflag:s4] =	dma.local [hbm:s23], $0x310  }
0x1f: {  	_ =	swait.ge [sflag:s6], $0x310  }
0x20: {  	[sflag:s6] =	ssyncset.done $0x0  }
0x21: {  	[sflag:s6] =	ssyncadd.s32 $0xFFFFFCF0  }
0x22: {  	[bflag:$0x0] =	sbarrier.arrive $0xFFFF  }
0x23: {  	s25 =	rddreg [dreg:$0x8]  }
0x24: {  	[tilespmem:s8], [sflag:$0x2] =	stream.linear.gather [hbm4b:s25+s3], $0x6200, $0x38;
	[tilespmem:$0x1A080] =	vst v63  }
0x25: {  	s26 =	rddreg [dreg:$0x9]  }
0x26: {  	[tilespmem:s9], [sflag:$0x4] =	stream.linear.gather [hbm4b:s26+s3], $0x6200, $0x38;
	[tilespmem:$0x1A080] =	vst v63  }
0x27: {  	_ =	swait.ge [sflag:s14], $0x6200  }
0x28: {  	[sflag:s14] =	ssyncset.done $0x0  }
0x29: {  	[sflag:s14] =	ssyncadd.s32 $0xFFFF9E00  }
0x2a: {  	_ =	swait.ge [sflag:s13], $0x6200  }
0x2b: {  	[sflag:s13] =	ssyncset.done $0x0  }
0x2c: {  	[sflag:s13] =	ssyncadd.s32 $0xFFFF9E00  }
0x2d: {  	[spmem:s2] =	stream.indirect.scatter.add.f32 [tilespmem:s10], [sflag:$0x5], $0x1, s3, s8, $0xb8;
	[tilespmem:$0x1A080] =	vst v63  }
0x2e: {  	_ =	swait.ge [sflag:s6], $0x6200  }
0x2f: {  	[sflag:s6] =	ssyncset.done $0x0  }
0x30: {  	[sflag:s6] =	ssyncadd.s32 $0xFFFF9E00  }
0x31: {  	[tilespmem:s3], [sflag:$0x1] =	stream.linear.gather [hbm4b:s17+s3], $0x6200, $0x38;
	[tilespmem:$0x1A080] =	vst v63  }
0x32: {  	_ = 	snop  }
0x33: {  	[tilespmem:s10], [sflag:$0x3] =	stream.linear.gather [hbm4b:s18+s3], $0x6200, $0x38;
	[tilespmem:$0x1A080] =	vst v63  }
0x34: {  	_ =	swait.ge [sflag:s20], $0x6200  }
0x35: {  	[sflag:s20] =	ssyncset.done $0x0  }
0x36: {  	[sflag:s20] =	ssyncadd.s32 $0xFFFF9E00  }
0x37: {  	_ =	swait.ge [sflag:s19], $0x6200  }
0x38: {  	[sflag:s19] =	ssyncset.done $0x0  }
0x39: {  	[sflag:s19] =	ssyncadd.s32 $0xFFFF9E00  }
0x3a: {  	[spmem:s2] =	stream.indirect.scatter.add.f32 [tilespmem:s9], [sflag:$0x5], $0x1, s8, s8, $0xb8;
	[tilespmem:$0x1A080] =	vst v63  }
0x3b: {  	_ =	swait.ge [sflag:s6], $0x6200  }
0x3c: {  	[sflag:s6] =	ssyncset.done $0x0  }
0x3d: {  	s21 =	simm.s32 @p0 $0x0;
	s0 =	simm.s32 @p0 $0x6200;
	[sflag:s6] =	ssyncadd.s32 $0xFFFF9E00  }
0x3e: {  	[tilespmem:s0], [sflag:$0x2] =	stream.linear.gather @p0 [hbm4b:s16+s21], $0x3600, $0x38;
	[tilespmem:$0x1A080] =	vst v63  }
0x3f: {  	s0 =	simm.s32 @p0 $0x12600  }
0x40: {  	[tilespmem:s0], [sflag:$0x4] =	stream.linear.gather @p0 [hbm4b:s15+s21], $0x3600, $0x38;
	[tilespmem:$0x1A080] =	vst v63  }
0x41: {  	s0 =	simm.s32 @p0 $0x15C00  }
0x42: {  	[tilespmem:s0], [sflag:$0x4] =	stream.linear.gather @p0 [hbm4b:s7+s21], $0x2C00, $0x38;
	[tilespmem:$0x1A080] =	vst v63  }
0x43: {  	s25 =	simm.s32 @!p0 $0x0;
	s0 =	simm.s32 @!p0 $0x6200  }
0x44: {  	[tilespmem:s0], [sflag:$0x2] =	stream.linear.gather @!p0 [hbm4b:s12+s25], $0x6200, $0x38;
	[tilespmem:$0x1A080] =	vst v63  }
0x45: {  	s28 =	simm.s32 @!p0 $0x12600  }
0x46: {  	[tilespmem:s28], [sflag:$0x4] =	stream.linear.gather @!p0 [hbm4b:s11+s25], $0x6200, $0x38;
	[tilespmem:$0x1A080] =	vst v63  }
0x47: {  	_ =	swait.ge [sflag:s14], $0x6200  }
0x48: {  	[sflag:s14] =	ssyncset.done $0x0  }
0x49: {  	[sflag:s14] =	ssyncadd.s32 $0xFFFF9E00  }
0x4a: {  	_ =	swait.ge [sflag:s13], $0x6200  }
0x4b: {  	[sflag:s13] =	ssyncset.done $0x0  }
0x4c: {  	[sflag:s13] =	ssyncadd.s32 $0xFFFF9E00  }
0x4d: {  	[spmem:s2] =	stream.indirect.scatter.add.f32 [tilespmem:s10], [sflag:$0x5], $0x1, s3, s8, $0xb8;
	[tilespmem:$0x1A080] =	vst v63  }
0x4e: {  	_ =	swait.ge [sflag:s6], $0x6200  }
0x4f: {  	[sflag:s6] =	ssyncset.done $0x0  }
0x50: {  	s29 =	simm.s32 @p0 $0x2;
	[sflag:s6] =	ssyncadd.s32 $0xFFFF9E00  }
0x51: {  	_ =	swait.ge @p0 [sflag:s29], $0x3600  }
0x52: {  	[sflag:s29] =	ssyncset.done @p0 $0x0  }
0x53: {  	s30 =	simm.s32 @p0 $0x4;
	[sflag:s29] =	ssyncadd.s32 @p0 $0xFFFFCA00  }
0x54: {  	_ =	swait.ge @p0 [sflag:s30], $0x3600  }
0x55: {  	[sflag:s30] =	ssyncset.done @p0 $0x0  }
0x56: {  	[sflag:s30] =	ssyncadd.s32 @p0 $0xFFFFCA00  }
0x57: {  	_ =	swait.ge @p0 [sflag:s30], $0x2C00  }
0x58: {  	[sflag:s30] =	ssyncset.done @p0 $0x0  }
0x59: {  	s31 =	simm.s32 @!p0 $0x2;
	[sflag:s30] =	ssyncadd.s32 @p0 $0xFFFFD400  }
0x5a: {  	_ =	swait.ge @!p0 [sflag:s31], $0x6200  }
0x5b: {  	[sflag:s31] =	ssyncset.done @!p0 $0x0  }
0x5c: {  	s0 =	simm.s32 @!p0 $0x4;
	[sflag:s31] =	ssyncadd.s32 @!p0 $0xFFFF9E00  }
0x5d: {  	_ =	swait.ge @!p0 [sflag:s0], $0x6200  }
0x5e: {  	[sflag:s0] =	ssyncset.done @!p0 $0x0  }
0x5f: {  	[sflag:s0] =	ssyncadd.s32 @!p0 $0xFFFF9E00  }
0x60: {  	[spmem:s2] =	stream.indirect.scatter.add.f32 [tilespmem:s9], [sflag:$0x5], $0x1, s8, s8, $0xb8;
	[tilespmem:$0x1A080] =	vst v63  }
0x61: {  	s1 =	sadd.s32 $0xFFFFFFFF, s1;
	_ =	swait.ge [sflag:s6], $0x6200  }
0x62: {  	p2 =	sne.s32 s1, $0x0;
	[sflag:s6] =	ssyncset.done $0x0  }
.Ltmp1:
0x63: {  	[sflag:s6] =	ssyncadd.s32 $0xFFFF9E00;
	(pc) =	sbr.rel @!p2 .LBB2_2-.Ltmp1, $4  }
0x64: {  	[bflag:$0x0] =	sbarrier.arrive $0xFFFF  }
0x65: {  	[hbm:s5], [sflag:s4] =	dma.local [spmem:s22], $0x310  }
0x66: {  	_ =	swait.ge [sflag:s6], $0x310  }
0x67: {  	p1 =	por $0x1, $0x1;
	s23 =	rddreg [dreg:$0x7];
	[sflag:s6] =	ssyncset.done $0x0  }
.LBB2_3:
0x68: {  	s22 =	rddreg [dreg:$0x4]  }
0x69: {  	[sflag:s6] =	ssyncadd.s32 $0xFFFFFCF0;
	s24 =	rddreg [dreg:$0x6]  }
0x6a: {  	[tilespmem:s3], [sflag:$0x1] =	stream.linear.gather [hbm4b:s22+s3], $0x6200, $0x38;
	[tilespmem:$0x1A080] =	vst v63  }
0x6b: {  	s26 =	rddreg [dreg:$0x5];
	s22 =	sshrl.u32 s24, $0x3  }
0x6c: {  	[tilespmem:s10], [sflag:$0x3] =	stream.linear.gather [hbm4b:s26+s3], $0x6200, $0x38;
	[tilespmem:$0x1A080] =	vst v63  }
0x6d: {  	[spmem:s22], [sflag:s4] =	dma.local [hbm:s23], $0x310  }
0x6e: {  	_ =	swait.ge [sflag:s6], $0x310  }
0x6f: {  	[sflag:s6] =	ssyncset.done $0x0  }
0x70: {  	[sflag:s6] =	ssyncadd.s32 $0xFFFFFCF0  }
0x71: {  	[bflag:$0x0] =	sbarrier.arrive $0xFFFF  }
0x72: {  	s24 =	rddreg [dreg:$0x8]  }
0x73: {  	[tilespmem:s8], [sflag:$0x2] =	stream.linear.gather [hbm4b:s24+s3], $0x6200, $0x38;
	[tilespmem:$0x1A080] =	vst v63  }
0x74: {  	s26 =	rddreg [dreg:$0x9]  }
0x75: {  	[tilespmem:s9], [sflag:$0x4] =	stream.linear.gather [hbm4b:s26+s3], $0x6200, $0x38;
	[tilespmem:$0x1A080] =	vst v63  }
0x76: {  	_ =	swait.ge [sflag:s14], $0x6200  }
0x77: {  	[sflag:s14] =	ssyncset.done $0x0  }
0x78: {  	[sflag:s14] =	ssyncadd.s32 $0xFFFF9E00  }
0x79: {  	_ =	swait.ge [sflag:s13], $0x6200  }
0x7a: {  	[sflag:s13] =	ssyncset.done $0x0  }
0x7b: {  	[sflag:s13] =	ssyncadd.s32 $0xFFFF9E00  }
0x7c: {  	[spmem:s2] =	stream.indirect.scatter.add.f32 [tilespmem:s10], [sflag:$0x5], $0x1, s3, s8, $0xb8;
	[tilespmem:$0x1A080] =	vst v63  }
0x7d: {  	_ =	swait.ge [sflag:s6], $0x6200  }
0x7e: {  	[sflag:s6] =	ssyncset.done $0x0  }
0x7f: {  	[sflag:s6] =	ssyncadd.s32 $0xFFFF9E00  }
0x80: {  	[tilespmem:s3], [sflag:$0x1] =	stream.linear.gather [hbm4b:s17+s3], $0x6200, $0x38;
	[tilespmem:$0x1A080] =	vst v63  }
0x81: {  	_ = 	snop  }
0x82: {  	[tilespmem:s10], [sflag:$0x3] =	stream.linear.gather [hbm4b:s18+s3], $0x6200, $0x38;
	[tilespmem:$0x1A080] =	vst v63  }
0x83: {  	_ =	swait.ge [sflag:s20], $0x6200  }
0x84: {  	[sflag:s20] =	ssyncset.done $0x0  }
0x85: {  	[sflag:s20] =	ssyncadd.s32 $0xFFFF9E00  }
0x86: {  	_ =	swait.ge [sflag:s19], $0x6200  }
0x87: {  	[sflag:s19] =	ssyncset.done $0x0  }
0x88: {  	[sflag:s19] =	ssyncadd.s32 $0xFFFF9E00  }
0x89: {  	[spmem:s2] =	stream.indirect.scatter.add.f32 [tilespmem:s9], [sflag:$0x5], $0x1, s8, s8, $0xb8;
	[tilespmem:$0x1A080] =	vst v63  }
0x8a: {  	_ =	swait.ge [sflag:s6], $0x6200  }
0x8b: {  	[sflag:s6] =	ssyncset.done $0x0  }
0x8c: {  	s23 =	simm.s32 @p0 $0x6200;
	[sflag:s6] =	ssyncadd.s32 $0xFFFF9E00  }
0x8d: {  	[tilespmem:s23], [sflag:$0x2] =	stream.linear.gather @p0 [hbm4b:s16+s21], $0x3600, $0x38;
	[tilespmem:$0x1A080] =	vst v63  }
0x8e: {  	s23 =	simm.s32 @p0 $0x12600  }
0x8f: {  	[tilespmem:s23], [sflag:$0x4] =	stream.linear.gather @p0 [hbm4b:s15+s21], $0x3600, $0x38;
	[tilespmem:$0x1A080] =	vst v63  }
0x90: {  	s23 =	simm.s32 @p0 $0x15C00  }
0x91: {  	[tilespmem:s23], [sflag:$0x4] =	stream.linear.gather @p0 [hbm4b:s7+s21], $0x2C00, $0x38;
	[tilespmem:$0x1A080] =	vst v63  }
0x92: {  	s23 =	simm.s32 @!p0 $0x6200  }
0x93: {  	[tilespmem:s23], [sflag:$0x2] =	stream.linear.gather @!p0 [hbm4b:s12+s25], $0x6200, $0x38;
	[tilespmem:$0x1A080] =	vst v63  }
0x94: {  	_ = 	snop  }
0x95: {  	[tilespmem:s28], [sflag:$0x4] =	stream.linear.gather @!p0 [hbm4b:s11+s25], $0x6200, $0x38;
	[tilespmem:$0x1A080] =	vst v63  }
0x96: {  	_ =	swait.ge [sflag:s14], $0x6200  }
0x97: {  	[sflag:s14] =	ssyncset.done $0x0  }
0x98: {  	[sflag:s14] =	ssyncadd.s32 $0xFFFF9E00  }
0x99: {  	_ =	swait.ge [sflag:s13], $0x6200  }
0x9a: {  	[sflag:s13] =	ssyncset.done $0x0  }
0x9b: {  	[sflag:s13] =	ssyncadd.s32 $0xFFFF9E00  }
0x9c: {  	[spmem:s2] =	stream.indirect.scatter.add.f32 [tilespmem:s10], [sflag:$0x5], $0x1, s3, s8, $0xb8;
	[tilespmem:$0x1A080] =	vst v63  }
0x9d: {  	_ =	swait.ge [sflag:s6], $0x6200  }
0x9e: {  	[sflag:s6] =	ssyncset.done $0x0  }
0x9f: {  	[sflag:s6] =	ssyncadd.s32 $0xFFFF9E00  }
0xa0: {  	_ =	swait.ge @p0 [sflag:s29], $0x3600  }
0xa1: {  	[sflag:s29] =	ssyncset.done @p0 $0x0  }
0xa2: {  	[sflag:s29] =	ssyncadd.s32 @p0 $0xFFFFCA00  }
0xa3: {  	_ =	swait.ge @p0 [sflag:s30], $0x3600  }
0xa4: {  	[sflag:s30] =	ssyncset.done @p0 $0x0  }
0xa5: {  	[sflag:s30] =	ssyncadd.s32 @p0 $0xFFFFCA00  }
0xa6: {  	_ =	swait.ge @p0 [sflag:s30], $0x2C00  }
0xa7: {  	[sflag:s30] =	ssyncset.done @p0 $0x0  }
0xa8: {  	[sflag:s30] =	ssyncadd.s32 @p0 $0xFFFFD400  }
0xa9: {  	_ =	swait.ge @!p0 [sflag:s31], $0x6200  }
0xaa: {  	[sflag:s31] =	ssyncset.done @!p0 $0x0  }
0xab: {  	[sflag:s31] =	ssyncadd.s32 @!p0 $0xFFFF9E00  }
0xac: {  	_ =	swait.ge @!p0 [sflag:s0], $0x6200  }
0xad: {  	[sflag:s0] =	ssyncset.done @!p0 $0x0  }
0xae: {  	[sflag:s0] =	ssyncadd.s32 @!p0 $0xFFFF9E00  }
0xaf: {  	[spmem:s2] =	stream.indirect.scatter.add.f32 [tilespmem:s9], [sflag:$0x5], $0x1, s8, s8, $0xb8;
	[tilespmem:$0x1A080] =	vst v63  }
0xb0: {  	s1 =	sadd.s32 $0xFFFFFFFF, s1;
	_ =	swait.ge [sflag:s6], $0x6200  }
0xb1: {  	p2 =	sne.s32 s1, $0x0;
	[sflag:s6] =	ssyncset.done $0x0  }
.Ltmp2:
0xb2: {  	[sflag:s6] =	ssyncadd.s32 $0xFFFF9E00;
	(pc) =	sbr.rel @p2 .LBB2_3-.Ltmp2, $4  }
0xb3: {  	[bflag:$0x0] =	sbarrier.arrive $0xFFFF  }
0xb4: {  	[hbm:s5], [sflag:s4] =	dma.local [spmem:s22], $0x310  }
0xb5: {  	_ =	swait.ge [sflag:s6], $0x310  }
0xb6: {  	s23 =	rddreg [dreg:$0x7];
	[sflag:s6] =	ssyncset.done $0x0  }
0xb7: {  	s22 =	rddreg [dreg:$0x3];
	s24 =	stileid.u32  }
.LBB2_5:
0xb8: {  	s0 =	rddreg [dreg:$0x4]  }
0xb9: {  	s1 =	rddreg [dreg:$0x6];
	[sflag:s6] =	ssyncadd.s32 @p1 $0xFFFFFCF0  }
0xba: {  	[tilespmem:s3], [sflag:$0x1] =	stream.linear.gather [hbm4b:s0+s3], $0x6200, $0x38;
	[tilespmem:$0x1A080] =	vst v63  }
0xbb: {  	s21 =	rddreg [dreg:$0x5];
	s29 =	sshrl.u32 s1, $0x3  }
0xbc: {  	[tilespmem:s10], [sflag:$0x3] =	stream.linear.gather [hbm4b:s21+s3], $0x6200, $0x38;
	[tilespmem:$0x1A080] =	vst v63  }
0xbd: {  	[spmem:s29], [sflag:s4] =	dma.local [hbm:s23], $0x310  }
0xbe: {  	_ =	swait.ge [sflag:s6], $0x310  }
0xbf: {  	[sflag:s6] =	ssyncset.done $0x0  }
0xc0: {  	[sflag:s6] =	ssyncadd.s32 $0xFFFFFCF0  }
0xc1: {  	[bflag:$0x0] =	sbarrier.arrive $0xFFFF  }
0xc2: {  	s30 =	rddreg [dreg:$0x8]  }
0xc3: {  	[tilespmem:s8], [sflag:$0x2] =	stream.linear.gather [hbm4b:s30+s3], $0x6200, $0x38;
	[tilespmem:$0x1A080] =	vst v63  }
0xc4: {  	s31 =	rddreg [dreg:$0x9]  }
0xc5: {  	[tilespmem:s9], [sflag:$0x4] =	stream.linear.gather [hbm4b:s31+s3], $0x6200, $0x38;
	[tilespmem:$0x1A080] =	vst v63  }
0xc6: {  	_ =	swait.ge [sflag:s14], $0x6200  }
0xc7: {  	[sflag:s14] =	ssyncset.done $0x0  }
0xc8: {  	[sflag:s14] =	ssyncadd.s32 $0xFFFF9E00  }
0xc9: {  	_ =	swait.ge [sflag:s13], $0x6200  }
0xca: {  	[sflag:s13] =	ssyncset.done $0x0  }
0xcb: {  	[sflag:s13] =	ssyncadd.s32 $0xFFFF9E00  }
0xcc: {  	[spmem:s2] =	stream.indirect.scatter.add.f32 [tilespmem:s10], [sflag:$0x5], $0x1, s3, s8, $0xb8;
	[tilespmem:$0x1A080] =	vst v63  }
0xcd: {  	_ =	swait.ge [sflag:s6], $0x6200  }
0xce: {  	[sflag:s6] =	ssyncset.done $0x0  }
0xcf: {  	[sflag:s6] =	ssyncadd.s32 $0xFFFF9E00  }
0xd0: {  	[tilespmem:s3], [sflag:$0x1] =	stream.linear.gather [hbm4b:s17+s3], $0x6200, $0x38;
	[tilespmem:$0x1A080] =	vst v63  }
0xd1: {  	_ = 	snop  }
0xd2: {  	[tilespmem:s10], [sflag:$0x3] =	stream.linear.gather [hbm4b:s18+s3], $0x6200, $0x38;
	[tilespmem:$0x1A080] =	vst v63  }
0xd3: {  	_ =	swait.ge [sflag:s20], $0x6200  }
0xd4: {  	[sflag:s20] =	ssyncset.done $0x0  }
0xd5: {  	[sflag:s20] =	ssyncadd.s32 $0xFFFF9E00  }
0xd6: {  	_ =	swait.ge [sflag:s19], $0x6200  }
0xd7: {  	[sflag:s19] =	ssyncset.done $0x0  }
0xd8: {  	[sflag:s19] =	ssyncadd.s32 $0xFFFF9E00  }
0xd9: {  	[spmem:s2] =	stream.indirect.scatter.add.f32 [tilespmem:s9], [sflag:$0x5], $0x1, s8, s8, $0xb8;
	[tilespmem:$0x1A080] =	vst v63  }
0xda: {  	_ =	swait.ge [sflag:s6], $0x6200  }
0xdb: {  	[sflag:s6] =	ssyncset.done $0x0  }
0xdc: {  	s1 =	simm.s32 @p0 $0x0;
	s17 =	simm.s32 @p0 $0x6200;
	[sflag:s6] =	ssyncadd.s32 $0xFFFF9E00  }
0xdd: {  	[tilespmem:s17], [sflag:$0x2] =	stream.linear.gather @p0 [hbm4b:s16+s1], $0x3600, $0x38;
	[tilespmem:$0x1A080] =	vst v63  }
0xde: {  	s16 =	simm.s32 @p0 $0x12600  }
0xdf: {  	[tilespmem:s16], [sflag:$0x4] =	stream.linear.gather @p0 [hbm4b:s15+s1], $0x3600, $0x38;
	[tilespmem:$0x1A080] =	vst v63  }
0xe0: {  	s15 =	simm.s32 @p0 $0x15C00  }
0xe1: {  	[tilespmem:s15], [sflag:$0x4] =	stream.linear.gather @p0 [hbm4b:s7+s1], $0x2C00, $0x38;
	[tilespmem:$0x1A080] =	vst v63  }
0xe2: {  	s1 =	simm.s32 @!p0 $0x0;
	s7 =	simm.s32 @!p0 $0x6200  }
0xe3: {  	[tilespmem:s7], [sflag:$0x2] =	stream.linear.gather @!p0 [hbm4b:s12+s1], $0x6200, $0x38;
	[tilespmem:$0x1A080] =	vst v63  }
0xe4: {  	s7 =	simm.s32 @!p0 $0x12600  }
0xe5: {  	[tilespmem:s7], [sflag:$0x4] =	stream.linear.gather @!p0 [hbm4b:s11+s1], $0x6200, $0x38;
	[tilespmem:$0x1A080] =	vst v63  }
0xe6: {  	_ =	swait.ge [sflag:s14], $0x6200  }
0xe7: {  	[sflag:s14] =	ssyncset.done $0x0  }
0xe8: {  	[sflag:s14] =	ssyncadd.s32 $0xFFFF9E00  }
0xe9: {  	_ =	swait.ge [sflag:s13], $0x6200  }
0xea: {  	[sflag:s13] =	ssyncset.done $0x0  }
0xeb: {  	[sflag:s13] =	ssyncadd.s32 $0xFFFF9E00  }
0xec: {  	[spmem:s2] =	stream.indirect.scatter.add.f32 [tilespmem:s10], [sflag:$0x5], $0x1, s3, s8, $0xb8;
	[tilespmem:$0x1A080] =	vst v63  }
0xed: {  	_ =	swait.ge [sflag:s6], $0x6200  }
0xee: {  	[sflag:s6] =	ssyncset.done $0x0  }
0xef: {  	s1 =	simm.s32 @p0 $0x2;
	[sflag:s6] =	ssyncadd.s32 $0xFFFF9E00  }
0xf0: {  	_ =	swait.ge @p0 [sflag:s1], $0x3600  }
0xf1: {  	[sflag:s1] =	ssyncset.done @p0 $0x0  }
0xf2: {  	[sflag:s1] =	ssyncadd.s32 @p0 $0xFFFFCA00;
	s1 =	simm.s32 @p0 $0x4  }
0xf3: {  	_ =	swait.ge @p0 [sflag:s1], $0x3600  }
0xf4: {  	[sflag:s1] =	ssyncset.done @p0 $0x0  }
0xf5: {  	[sflag:s1] =	ssyncadd.s32 @p0 $0xFFFFCA00  }
0xf6: {  	_ =	swait.ge @p0 [sflag:s1], $0x2C00  }
0xf7: {  	[sflag:s1] =	ssyncset.done @p0 $0x0  }
0xf8: {  	[sflag:s1] =	ssyncadd.s32 @p0 $0xFFFFD400;
	s1 =	simm.s32 @!p0 $0x2  }
0xf9: {  	_ =	swait.ge @!p0 [sflag:s1], $0x6200  }
0xfa: {  	[sflag:s1] =	ssyncset.done @!p0 $0x0  }
0xfb: {  	[sflag:s1] =	ssyncadd.s32 @!p0 $0xFFFF9E00;
	s1 =	simm.s32 @!p0 $0x4  }
0xfc: {  	_ =	swait.ge @!p0 [sflag:s1], $0x6200  }
0xfd: {  	[sflag:s1] =	ssyncset.done @!p0 $0x0  }
0xfe: {  	[sflag:s1] =	ssyncadd.s32 @!p0 $0xFFFF9E00  }
0xff: {  	[spmem:s2] =	stream.indirect.scatter.add.f32 [tilespmem:s9], [sflag:$0x5], $0x1, s8, s8, $0xb8;
	[tilespmem:$0x1A080] =	vst v63  }
0x100: {  	_ =	swait.ge [sflag:s6], $0x6200  }
0x101: {  	[sflag:s6] =	ssyncset.done $0x0  }
0x102: {  	[sflag:s6] =	ssyncadd.s32 $0xFFFF9E00  }
0x103: {  	[bflag:$0x0] =	sbarrier.arrive $0xFFFF  }
0x104: {  	[hbm:s5], [sflag:s4] =	dma.local [spmem:s29], $0x310  }
0x105: {  	_ =	swait.ge [sflag:s6], $0x310  }
0x106: {  	[sflag:s6] =	ssyncset.done $0x0  }
0x107: {  	[sflag:s6] =	ssyncadd.s32 $0xFFFFFCF0  }
0x108: {  	_ =	sfence.sel $0x180000  }
0x109: {  	[bflag:$0x0] =	sbarrier.arrive $0xFFFF  }
0x10a: {  	p0 =	sne.s32 s24, $0x0;
	_ =	strace $0x90000047  }
0x10b: {  	s0 =	sadd.s32 @!p0 $0x100000, s22;
	[bflag:$0x2] =	sbarrier.arrive $0xFFFF  }
0x10c: {  	[sflag:s0] =	ssyncadd.tile.s32 @!p0 $0x1;
	_ =	shalt  }
.LBB2_2:
.Ltmp3:
0x10d: {  	(pc) =	sbr.rel .LBB2_5-.Ltmp3, $2  }
0x10e: {  	_ =	sdelay $0x2  }
0x10f: {  	s22 =	rddreg [dreg:$0x3];
	s24 =	stileid.u32  }
.Lfunc_end2:
_tile_overlayer_lowered:
.L_overlay_start_2:
0x110: {  	(tag) =	ssettag $0x2  }
0x111: {  	s0 =	rddreg [dreg:$0x0];
	s2 =	stileid.u32  }
0x112: {  	s1 =	rddreg [dreg:$0x1];
	p0 =	sne.s32 s2, $0x0  }
0x113: {  	s3 =	rddreg [dreg:$0x2];
	[bflag:$0x3] =	sbarrier.arrive $0xFFFF;
	s2 =	simm.s32 @!p0 $0x1C05  }
0x114: {  	[timem:s3], [sflag:s2] =	dma.local @!p0 [hbm:s0], s1  }
0x115: {  	s0 =	simm.s32 @!p0 $0x5  }
0x116: {  	_ =	swait.ge @!p0 [sflag:s0], s1  }
0x117: {  	s1 =	ssub.s32 @!p0 $0x0, s1;
	[sflag:s0] =	ssyncset.done @!p0 $0x0  }
0x118: {  	[sflag:s0] =	ssyncadd.s32 @!p0 s1  }
0x119: {  	[bflag:$0x3] =	sbarrier.arrive $0xFFFF  }
0x11a: {  	_ =	shalt  }

// kernel: kernel.7.cloned.1.call-start
scs
__scs_entry_jumppad:
0x0: {  	(pc) =	sbr.rel $0x88, $3  }
0x1: {  	(tag) =	ssettag $0x0;
	lr =	simm.s32 $0x1  }
0x2: {  	[smem:$0x3F9D] =	sst lr;
	_ =	strace $0xD0000000  }
0x3: {  	_ = 	snop  }
0x4: {  	_ = 	snop  }
0x5: {  	_ = 	snop  }
0x6: {  	_ = 	snop  }
0x7: {  	_ = 	snop  }
__scs_overlays_trampoline_lowered:
0x8: {  	[smem:$0x3FAC] =	sst s0  }
0x9: {  	[smem:$0x3FAD] =	sst s1  }
0xa: {  	[smem:$0x3FAE] =	sst s2  }
0xb: {  	[smem:$0x3FAF] =	sst s3  }
0xc: {  	[smem:$0x3FB0] =	sst s4  }
0xd: {  	[smem:$0x3FB1] =	sst s5  }
0xe: {  	[smem:$0x3FB2] =	sst s6  }
0xf: {  	[smem:$0x3FB3] =	sst s7  }
0x10: {  	[smem:$0x3FB4] =	sst s8  }
0x11: {  	[smem:$0x3FB5] =	sst s9;
	s0 =	simm.s32 @!p0 $0x0  }
0x12: {  	s1 =	sld [smem:$0x3F9B];
	s0 =	simm.s32 @p0 $0x1  }
0x13: {  	[smem:$0x3FB6] =	sst s0;
	s0 =	simm.s32 @!p1 $0x0  }
0x14: {  	s2 =	sld [smem:$0x3F9A];
	s0 =	simm.s32 @p1 $0x1  }
0x15: {  	[smem:$0x3FB7] =	sst s0;
	s0 =	simm.s32 @!p2 $0x0  }
0x16: {  	s3 =	sld [smem:$0x3FDB];
	s0 =	simm.s32 @p2 $0x1  }
0x17: {  	s4 =	simm.s32 $0x1BF5;
	[smem:$0x3FB9] =	sst s0  }
0x18: {  	s0 =	sld [smem:$0x3F9C];
	_ =	swait.ge [sflag:s4], $0x0  }
0x19: {  	s7 =	sld [smem:$0x3F9D]  }
0x1a: {  	s8 =	sadd.s32 $0xFFFFE003, lr  }
0x1b: {  	s9 =	sadd.s32 $0xFFFFFEF7, lr;
	s5 =	simm.s32 $0xFFFFFFFF;
	p2 =	slt.u32 s8, $0xFFFFF086  }
0x1c: {  	p1 =	slt.u32 s9, $0xF7A;
	s5 =	simm.s32 @!p2 $0x0  }
0x1d: {  	s5 =	simm.s32 @p1 $0x1;
	p0 =	seq.s32 s7, s2  }
0x1e: {  	s7 =	smul.u32 @!p0 $0xF7A, s2;
	p2 =	seq.s32 @!p0 s5, $0x0  }
0x1f: {  	s9 =	smul.u32 $0xF7A, s1;
	s8 =	simm.s32 @!p0 $0x1BF5;
	p2 =	por !p2, p0  }
0x20: {  	[sflag:s8] =	ssyncset.s32 @!p0 $0xFFFFF086;
	s6 =	sadd.s32 @!p0 s3, s7;
	s7 =	simm.s32 @!p0 $0x108  }
0x21: {  	s3 =	sadd.s32 s3, s9;
	s6 =	sadd.s32 @!p0 $0x88, s6;
	s7 =	simm.s32 @p2 $0x1082  }
0x22: {  	[simem:s7], [sflag:s8] =	dma.local @!p0 [hbm:s6], $0xF7A  }
0x23: {  	s9 =	sor.u32 $0xD0000000, s2;
	s6 =	simm.s32 $0x108;
	_ =	swait.ge @!p0 [sflag:s8], $0x0  }
0x24: {  	s3 =	sadd.s32 $0x88, s3;
	s6 =	simm.s32 @!p1 $0x1082;
	[sflag:s4] =	ssyncset.s32 $0xFFFFF086  }
0x25: {  	[simem:s6], [sflag:s4] =	dma.local [hbm:s3], $0xF7A  }
0x26: {  	[smem:$0x3F9D] =	sst s1;
	(tag) =	ssettag s2;
	_ =	strace s9  }
0x27: {  	s1 =	sld [smem:$0x3FAD]  }
0x28: {  	s2 =	sld [smem:$0x3FAE]  }
0x29: {  	s4 =	sld [smem:$0x3FB0]  }
0x2a: {  	p0 =	seq.s32 s5, $0x0;
	s5 =	sld [smem:$0x3FB1]  }
0x2b: {  	s6 =	sld [smem:$0x3FB2]  }
0x2c: {  	s7 =	sld [smem:$0x3FB3]  }
0x2d: {  	s3 =	simm.s32 $0x108;
	s8 =	sld [smem:$0x3FB4]  }
0x2e: {  	s3 =	simm.s32 @!p0 $0x1082;
	s9 =	sld [smem:$0x3FB5]  }
0x2f: {  	lr =	sadd.s32 s0, s3;
	s0 =	sld [smem:$0x3FAC]  }
0x30: {  	s3 =	sld [smem:$0x3FAF]  }
0x31: {  	[smem:$0x3FB8] =	sst s10  }
0x32: {  	s10 =	sld [smem:$0x3FB6];
	_ =	sdelay $0x3  }
0x33: {  	p0 =	seq.s32 s10, $0x1;
	s10 =	sld [smem:$0x3FB8];
	_ =	sdelay $0x3  }
0x34: {  	[smem:$0x3FB8] =	sst s10  }
0x35: {  	s10 =	sld [smem:$0x3FB7];
	_ =	sdelay $0x3  }
0x36: {  	p1 =	seq.s32 s10, $0x1;
	s10 =	sld [smem:$0x3FB8];
	_ =	sdelay $0x3  }
0x37: {  	[smem:$0x3FB8] =	sst s10  }
0x38: {  	s10 =	sld [smem:$0x3FB9]  }
0x39: {  	_ = 	snop;
	(pc) =	sbr.ind lr, $3  }
0x3a: {  	_ = 	snop  }
0x3b: {  	_ = 	snop  }
0x3c: {  	p2 =	seq.s32 s10, $0x1;
	s10 =	sld [smem:$0x3FB8]  }
0x3d: {  	_ =	shalt  }
0x3e: {  	_ =	shalt  }
0x3f: {  	_ =	shalt  }
0x40: {  	_ =	shalt  }
0x41: {  	_ =	shalt  }
0x42: {  	_ =	shalt  }
0x43: {  	_ =	shalt  }
0x44: {  	_ =	shalt  }
0x45: {  	_ =	shalt  }
0x46: {  	_ =	shalt  }
0x47: {  	_ =	shalt  }
0x48: {  	_ =	shalt  }
0x49: {  	_ =	shalt  }
0x4a: {  	_ =	shalt  }
0x4b: {  	_ =	shalt  }
0x4c: {  	_ =	shalt  }
0x4d: {  	_ =	shalt  }
0x4e: {  	_ =	shalt  }
0x4f: {  	_ =	shalt  }
0x50: {  	_ =	shalt  }
0x51: {  	_ =	shalt  }
0x52: {  	_ =	shalt  }
0x53: {  	_ =	shalt  }
0x54: {  	_ =	shalt  }
0x55: {  	_ =	shalt  }
0x56: {  	_ =	shalt  }
0x57: {  	_ =	shalt  }
0x58: {  	_ =	shalt  }
0x59: {  	_ =	shalt  }
0x5a: {  	_ =	shalt  }
0x5b: {  	_ =	shalt  }
0x5c: {  	_ =	shalt  }
0x5d: {  	_ =	shalt  }
0x5e: {  	_ =	shalt  }
0x5f: {  	_ =	shalt  }
0x60: {  	_ =	shalt  }
0x61: {  	_ =	shalt  }
0x62: {  	_ =	shalt  }
0x63: {  	_ =	shalt  }
0x64: {  	_ =	shalt  }
0x65: {  	_ =	shalt  }
0x66: {  	_ =	shalt  }
0x67: {  	_ =	shalt  }
0x68: {  	_ =	shalt  }
0x69: {  	_ =	shalt  }
0x6a: {  	_ =	shalt  }
0x6b: {  	_ =	shalt  }
0x6c: {  	_ =	shalt  }
0x6d: {  	_ =	shalt  }
0x6e: {  	_ =	shalt  }
0x6f: {  	_ =	shalt  }
0x70: {  	_ =	shalt  }
0x71: {  	_ =	shalt  }
0x72: {  	_ =	shalt  }
0x73: {  	_ =	shalt  }
0x74: {  	_ =	shalt  }
0x75: {  	_ =	shalt  }
0x76: {  	_ =	shalt  }
0x77: {  	_ =	shalt  }
0x78: {  	_ =	shalt  }
0x79: {  	_ =	shalt  }
0x7a: {  	_ =	shalt  }
0x7b: {  	_ =	shalt  }
0x7c: {  	_ =	shalt  }
0x7d: {  	_ =	shalt  }
0x7e: {  	_ =	shalt  }
0x7f: {  	_ =	shalt  }
0x80: {  	_ =	shalt  }
0x81: {  	_ =	shalt  }
0x82: {  	_ =	shalt  }
0x83: {  	_ =	shalt  }
0x84: {  	_ =	shalt  }
0x85: {  	_ =	shalt  }
0x86: {  	_ =	shalt  }
0x87: {  	_ =	shalt  }
.Lfunc_end0:
.L_simem_size_0:
called_computation.1_lowered:
.L_overlay_start_0:
0x88: {  	s2 =	sld [smem:$0x3FD9]  }
0x89: {  	s3 =	sld [smem:$0x3FFE];
	_ =	sdelay $0x1  }
0x8a: {  	s1 =	srdreg.scid  }
0x8b: {  	s0 =	sand.u32 $0x1, s1  }
0x8c: {  	s17 =	sshll.u32 s0, $0xA;
	s2 =	sadd.s32 s3, s2  }
0x8d: {  	s2 =	sadd.s32 s2, s17  }
0x8e: {  	[smem:$0x3FC4] =	sst s2  }
0x8f: {  	_ = 	snop  }
0x90: {  	s2 =	sld [smem:$0x3FD0];
	(tm) =	ssettm $0x1  }
0x91: {  	s18 =	sld [smem:$0x3FFB];
	_ =	sdelay $0x3  }
0x92: {  	_ =	strace s18  }
0x93: {  	s3 =	sld [smem:$0x3FFC];
	_ =	sdelay $0x3  }
0x94: {  	_ =	strace s3  }
0x95: {  	s3 =	sld [smem:$0x3FFD];
	_ =	sdelay $0x3  }
0x96: {  	_ =	strace s3  }
0x97: {  	_ =	strace $0x8FFFFFFF  }
0x98: {  	s19 =	sld [smem:$0x3FDB];
	_ =	sdelay $0x1  }
0x99: {  	s4 =	simm.s32 $_scs_section_size  }
0x9a: {  	s5 =	simm.s32 $_size__tile_overlayer_lowered;
	s6 =	simm.s32 $_tile_overlayer_lowered  }
0x9b: {  	s22 =	simm.s32 $0x1BFF;
	s21 =	sshll.u32 s6, $0x1;
	s3 =	sadd.s32 s4, s19  }
0x9c: {  	s7 =	simm.s32 $0x0;
	s20 =	sshll.u32 s5, $0x1;
	s5 =	sadd.s32 s21, s3  }
0x9d: {  	[timem:s7], [sflag:s22] =	dma.local [hbm:s5], s20  }
0x9e: {  	_ =	swait.ge [sflag:s22], s20  }
0x9f: {  	s4 =	ssub.s32 $0x0, s20;
	[sflag:s22] =	ssyncset.done $0x0  }
0xa0: {  	[sflag:s22] =	ssyncadd.s32 s4;
	_ =	sdelay $0x1  }
0xa1: {  	s23 =	simm.s32 $0x1B8B  }
0xa2: {  	_ =	swait.ge [sflag:s23], $0x1  }
0xa3: {  	[sflag:s23] =	ssyncset.done $0x0  }
0xa4: {  	s25 =	simm.s32 $0x1B8E;
	s24 =	sld [smem:$0x3FFE];
	[sflag:s23] =	ssyncadd.s32 $0xFFFFFFFF  }
0xa5: {  	s26 =	simm.s32 $execute0_lowered;
	[smem:$0x3FD2] =	sst s25  }
0xa6: {  	s5 =	sshll.u32 s26, $0x1;
	_ =	strace $0x80000049;
	[dreg:$0x1] =	wrdreg $0xFFFFFFFF  }
0xa7: {  	s28 =	simm.s32 $_size_execute0_lowered;
	s3 =	sadd.s32 s3, s5;
	[dreg:$0x0] =	wrdreg $0x0  }
0xa8: {  	s5 =	sshll.u32 s28, $0x1;
	[dreg:$0x2] =	wrdreg s3  }
0xa9: {  	[dreg:$0x3] =	wrdreg s5  }
0xaa: {  	[dreg:$0x4] =	wrdreg $0xC0  }
0xab: {  	_ =	task [dreg:s7], $0x5FFFF  }
0xac: {  	[dreg:$0x1] =	wrdreg $0xFFFFFFFF  }
0xad: {  	[dreg:$0x0] =	wrdreg $0x60  }
0xae: {  	[dreg:$0x2] =	wrdreg s24  }
0xaf: {  	[dreg:$0x3] =	wrdreg s2  }
0xb0: {  	[dreg:$0x4] =	wrdreg $0x9  }
0xb1: {  	_ =	task.clear_ibuf [dreg:s7], $0x5FFFF;
	_ =	strace $0x90000049  }
0xb2: {  	s29 =	simm.s32 $0x9;
	_ =	strace $0x8000004B  }
0xb3: {  	_ =	swait.ge [sflag:s29], $0x1  }
0xb4: {  	[sflag:s29] =	ssyncadd.s32 $0xFFFFFFFF  }
0xb5: {  	_ =	strace $0x9000004B  }
0xb6: {  	_ =	sfence  }
0xb7: {  	s30 =	sld [smem:$0x0];
	_ =	sdelay $0x2  }
0xb8: {  	s31 =	sshll.u32 s1, $0xD;
	s1 =	sshrl.u32 s1, $0x2  }
0xb9: {  	s3 =	sand.u32 $0x4000, s31;
	s1 =	sadd.s32 s1, s30  }
0xba: {  	s0 =	sor.u32 s3, s0;
	s1 =	sshll.u32 s1, $0x11  }
0xbb: {  	s0 =	sor.u32 s1, s0  }
0xbc: {  	s0 =	sadd.s32 $0x8F2B, s0  }
0xbd: {  	[sflag:s0] =	ssyncadd.remote.s32 $0x1  }
0xbe: {  	_ =	sfence.sel $0xFFFF  }
0xbf: {  	[dreg:$0x0] =	wrdreg $0xFFFFFFFF;
	(pc) =	sbr.abs _section_cstart, $3  }
0xc0: {  	[dreg:$0x1] =	wrdreg $0xFFFFFFFF  }
0xc1: {  	_ =	task.clear_ibuf [dreg:s7], $0x2FFFF;
	_ =	strace $0x9FFFFFFF  }
0xc2: {  	(tm) =	ssettm $0x7FFFFFFF  }
0xc3: {  	_ =	shalt  }
tec
execute0_lowered:
.L_overlay_start_1:
0x0: {  	(tag) =	ssettag $0x1  }
0x1: {  	s1 =	srdreg.scid  }
0x2: {  	s0 =	stileid.u32;
	s11 =	rddreg [dreg:$0x0]  }
0x3: {  	s10 =	rddreg [dreg:$0x1];
	s2 =	simm.s32 $0x0;
	s14 =	simm.s32 $0x1  }
0x4: {  	s15 =	simm.s32 $0x3200;
	s16 =	simm.s32 $0x3E80;
	s17 =	simm.s32 $0x0  }
0x5: {  	s3 =	sand.u32 $0x1, s1;
	s30 =	sshll.u32 s0, $0x1;
	s1 =	rddreg [dreg:$0x2]  }
0x6: {  	[smem:$0x7FF] =	sst s2;
	s9 =	sadd.s32 $0x6BB70, s11;
	s13 =	sor.u32 s3, s30  }
0x7: {  	s5 =	ssub.s32 $0x2, s3;
	_ =	strace $0x8000004A;
	s4 =	smul.u32 $0xC80, s13  }
0x8: {  	s3 =	sadd.s32 $0xC00, s11;
	s6 =	smul.u32 $0x640, s13;
	s31 =	sshrl.u32 s5, $0x1  }
.Ltmp0:
0x9: {  	p0 =	seq.s32 s13, $0x1F;
	s13 =	simm.s32 $0x4B00;
	(pc) =	sbr.rel .LBB2_1-.Ltmp0, $4  }
0xa: {  	s12 =	ssub.s32 s5, s31;
	s4 =	sshrl.u32 s4, $0x3;
	s8 =	sadd.s32 s6, s11  }
0xb: {  	s6 =	sadd.s32 s10, s6;
	s10 =	sadd.s32 $0xC1C0, s10;
	s7 =	sadd.s32 s4, s11  }
0xc: {  	s12 =	smax.u32 s12, $0x1;
	s4 =	sadd.s32 $0x65A00, s7;
	s5 =	sadd.s32 $0x68B00, s7  }
0xd: {  	v0 =	vlaneseq.u32;
	s7 =	sadd.s32 $0xE00, s8;
	s8 =	sadd.s32 $0x68A70, s11;
	s11 =	sadd.s32 $0xCFC0, s11  }
.LBB2_7:
0xe: {  	_ =	sdelay $0x1  }
0xf: {  	v6 =	vshll.u32 v6, $0x2;
	v4 =	vsub.f32 v4, v5  }
0x10: {  	v62 =	vand.u32 $0x7F, v3;
	v6 =	vand.u32 $0xE00, v6  }
0x11: {  	v5 =	vor.u32 v62, v6;
	[tilespmem:v2+s2+$0x0] =	vst.idx.msk $0xffff, v4  }
0x12: {  	v2 =	vld.idx.msk [tilespmem:v3+s16+$0x0], $0xffff;
	v63 =	vor.u32 $0x100, v5  }
0x13: {  	v3 =	vld.idx.msk [tilespmem:v3+s15+$0x0], $0xffff;
	_ =	sdelay $0x3  }
0x14: {  	v5 =	vld.idx.msk [tilespmem:v63+s2+$0x0], $0xffff  }
0x15: {  	v2 =	vadd.f32 v2, v3;
	_ =	sdelay $0x1  }
0x16: {  	v1 =	vmul.f32 v2, v1;
	_ =	sdelay $0x1  }
0x17: {  	v1 =	vsub.f32 v5, v1;
	_ =	sdelay $0x1  }
0x18: {  	[tilespmem:v63+s2+$0x0] =	vst.idx.msk $0xffff, v1  }
0x19: {  	[hbm4b:s11+s2] =	stream.linear.scatter [tilespmem:s2], [sflag:$0x1], $0xE00, $0x38;
	[tilespmem:$0x4B80] =	vst v63  }
0x1a: {  	_ =	swait.ge [sflag:s14], $0xE00  }
0x1b: {  	[sflag:s14] =	ssyncset.done $0x0  }
0x1c: {  	[sflag:s14] =	ssyncadd.s32 $0xFFFFF200  }
.LBB2_8:
0x1d: {  	s17 =	sadd.s32 $0x1, s17  }
0x1e: {  	p1 =	sne.s32 s17, s12  }
.Ltmp1:
0x1f: {  	_ = 	snop;
	(pc) =	sbr.rel @!p1 .LBB2_9-.Ltmp1, $1  }
0x20: {  	_ =	sdelay $0x3  }
.LBB2_1:
0x21: {  	[tilespmem:s13], [sflag:$0x1] =	stream.linear.gather [hbm4b:s3+s2], $0x80, $0x38;
	[tilespmem:$0x4B80] =	vst v63  }
.Ltmp2:
0x22: {  	_ = 	snop;
	(pc) =	sbr.rel @!p0 .LBB2_2-.Ltmp2, $4  }
0x23: {  	_ =	swait.ge [sflag:s14], $0x80  }
0x24: {  	[sflag:s14] =	ssyncset.done $0x0  }
0x25: {  	[sflag:s14] =	ssyncadd.s32 $0xFFFFFF80  }
0x26: {  	s18 =	simm.s32 $0x0;
	v1 =	vld [tilespmem:$0x4B00]  }
0x27: {  	[tilespmem:s15], [sflag:$0x1] =	stream.linear.gather [hbm4b:s8+s18], $0x380, $0x38;
	[tilespmem:$0x4B80] =	vst v63  }
0x28: {  	_ =	swait.ge [sflag:s14], $0x380  }
0x29: {  	[sflag:s14] =	ssyncset.done $0x0  }
0x2a: {  	[sflag:s14] =	ssyncadd.s32 $0xFFFFFC80  }
0x2b: {  	[tilespmem:s16], [sflag:$0x1] =	stream.linear.gather [hbm4b:s9+s18], $0x380, $0x38;
	[tilespmem:$0x4B80] =	vst v63  }
0x2c: {  	_ =	swait.ge [sflag:s14], $0x380  }
0x2d: {  	[sflag:s14] =	ssyncset.done $0x0  }
0x2e: {  	v2 =	vor.u32 s18, v0;
	[sflag:s14] =	ssyncadd.s32 $0xFFFFFC80  }
0x2f: {  	[tilespmem:s18], [sflag:$0x1] =	stream.linear.gather [hbm4b:s10+s18], $0xE00, $0x38;
	[tilespmem:$0x4B80] =	vst v63  }
0x30: {  	_ =	swait.ge [sflag:s14], $0xE00  }
0x31: {  	v3 =	vmov s18;
	[sflag:s14] =	ssyncset.done $0x0  }
0x32: {  	v3 =	vshll.u32 v3, $0x2;
	[sflag:s14] =	ssyncadd.s32 $0xFFFFF200  }
0x33: {  	v5 =	vand.u32 $0x7F, v2;
	v3 =	vand.u32 $0xE00, v3;
	v4 =	vld.idx.msk [tilespmem:v2+s16+$0x0], $0xffff  }
0x34: {  	v6 =	vld.idx.msk [tilespmem:v2+s15+$0x0], $0xffff;
	v2 =	vor.u32 v5, v3  }
0x35: {  	v2 =	vor.u32 $0x100, v2;
	_ =	sdelay $0x4  }
0x36: {  	v5 =	vadd.f32 v4, v6;
	v4 =	vld.idx.msk [tilespmem:v2+s2+$0x0], $0xffff;
	_ =	sdelay $0x2  }
0x37: {  	s31 =	simm.s32 $0x10;
	v5 =	vmul.f32 v5, v1  }
0x38: {  	s18 =	simm.s32 $0x20;
	v3 =	vor.u32 s31, v0;
	v6 =	vmov s31  }
.LBB2_6:
0x39: {  	p1 =	sne.s32 s18, $0x370;
	v6 =	vshll.u32 v6, $0x2;
	v4 =	vsub.f32 v4, v5  }
0x3a: {  	v5 =	vand.u32 $0x7F, v3;
	v6 =	vand.u32 $0xE00, v6  }
0x3b: {  	v5 =	vor.u32 v5, v6;
	[tilespmem:v2+s2+$0x0] =	vst.idx.msk $0xffff, v4  }
0x3c: {  	v6 =	vld.idx.msk [tilespmem:v3+s16+$0x0], $0xffff;
	v2 =	vor.u32 $0x100, v5  }
0x3d: {  	v3 =	vld.idx.msk [tilespmem:v3+s15+$0x0], $0xffff;
	_ =	sdelay $0x3  }
0x3e: {  	v4 =	vld.idx.msk [tilespmem:v2+s2+$0x0], $0xffff  }
.Ltmp3:
0x3f: {  	(pc) =	sbr.rel @p1 .LBB2_6-.Ltmp3, $3  }
0x40: {  	v5 =	vadd.f32 v6, v3;
	_ =	sdelay $0x1  }
0x41: {  	v3 =	vor.u32 s18, v0;
	v5 =	vmul.f32 v5, v1  }
0x42: {  	v6 =	vmov s18;
	s18 =	sadd.s32 $0x10, s18  }
.Ltmp4:
0x43: {  	_ = 	snop;
	(pc) =	sbr.rel .LBB2_7-.Ltmp4, $1  }
0x44: {  	_ =	sdelay $0x3  }
.LBB2_2:
0x45: {  	[tilespmem:s15], [sflag:$0x1] =	stream.linear.gather [hbm4b:s4+s18], $0xC80, $0x38;
	[tilespmem:$0x4B80] =	vst v63  }
0x46: {  	_ =	swait.ge [sflag:s14], $0xC80  }
0x47: {  	[sflag:s14] =	ssyncset.done $0x0  }
0x48: {  	[sflag:s14] =	ssyncadd.s32 $0xFFFFF380  }
0x49: {  	[tilespmem:s16], [sflag:$0x1] =	stream.linear.gather [hbm4b:s5+s18], $0xC80, $0x38;
	[tilespmem:$0x4B80] =	vst v63  }
0x4a: {  	_ =	swait.ge [sflag:s14], $0xC80  }
0x4b: {  	[sflag:s14] =	ssyncset.done $0x0  }
0x4c: {  	v2 =	vor.u32 s18, v0;
	[sflag:s14] =	ssyncadd.s32 $0xFFFFF380  }
0x4d: {  	[tilespmem:s18], [sflag:$0x1] =	stream.linear.gather [hbm4b:s6+s18], $0x3200, $0x38;
	[tilespmem:$0x4B80] =	vst v63  }
0x4e: {  	_ =	swait.ge [sflag:s14], $0x3200  }
0x4f: {  	v3 =	vmov s18;
	[sflag:s14] =	ssyncset.done $0x0  }
0x50: {  	v3 =	vshll.u32 v3, $0x2;
	[sflag:s14] =	ssyncadd.s32 $0xFFFFCE00  }
0x51: {  	v5 =	vand.u32 $0x7F, v2;
	v3 =	vand.u32 $0x3E00, v3;
	v4 =	vld.idx.msk [tilespmem:v2+s16+$0x0], $0xffff  }
0x52: {  	v6 =	vld.idx.msk [tilespmem:v2+s15+$0x0], $0xffff;
	v2 =	vor.u32 v5, v3  }
0x53: {  	v2 =	vor.u32 $0x100, v2;
	_ =	sdelay $0x4  }
0x54: {  	v5 =	vadd.f32 v4, v6;
	v4 =	vld.idx.msk [tilespmem:v2+s2+$0x0], $0xffff;
	_ =	sdelay $0x2  }
0x55: {  	s31 =	simm.s32 $0x10;
	v5 =	vmul.f32 v5, v1  }
0x56: {  	s18 =	simm.s32 $0x20;
	v3 =	vor.u32 s31, v0;
	v6 =	vmov s31  }
.LBB2_3:
0x57: {  	p1 =	sne.s32 s18, $0xC70;
	v6 =	vshll.u32 v6, $0x2;
	v4 =	vsub.f32 v4, v5  }
0x58: {  	v5 =	vand.u32 $0x7F, v3;
	v6 =	vand.u32 $0x3E00, v6  }
0x59: {  	v5 =	vor.u32 v5, v6;
	[tilespmem:v2+s2+$0x0] =	vst.idx.msk $0xffff, v4  }
0x5a: {  	v6 =	vld.idx.msk [tilespmem:v3+s16+$0x0], $0xffff;
	v2 =	vor.u32 $0x100, v5  }
0x5b: {  	v3 =	vld.idx.msk [tilespmem:v3+s15+$0x0], $0xffff;
	_ =	sdelay $0x3  }
0x5c: {  	v4 =	vld.idx.msk [tilespmem:v2+s2+$0x0], $0xffff  }
.Ltmp5:
0x5d: {  	(pc) =	sbr.rel @p1 .LBB2_3-.Ltmp5, $3  }
0x5e: {  	v5 =	vadd.f32 v6, v3;
	_ =	sdelay $0x1  }
0x5f: {  	v3 =	vor.u32 s18, v0;
	v5 =	vmul.f32 v5, v1  }
0x60: {  	v6 =	vmov s18;
	s18 =	sadd.s32 $0x10, s18  }
0x61: {  	_ =	sdelay $0x1  }
0x62: {  	v6 =	vshll.u32 v6, $0x2;
	v4 =	vsub.f32 v4, v5  }
0x63: {  	v62 =	vand.u32 $0x7F, v3;
	v6 =	vand.u32 $0x3E00, v6  }
0x64: {  	v5 =	vor.u32 v62, v6;
	[tilespmem:v2+s2+$0x0] =	vst.idx.msk $0xffff, v4  }
0x65: {  	v2 =	vld.idx.msk [tilespmem:v3+s16+$0x0], $0xffff;
	v63 =	vor.u32 $0x100, v5  }
0x66: {  	v3 =	vld.idx.msk [tilespmem:v3+s15+$0x0], $0xffff;
	_ =	sdelay $0x3  }
0x67: {  	v5 =	vld.idx.msk [tilespmem:v63+s2+$0x0], $0xffff  }
0x68: {  	v2 =	vadd.f32 v2, v3;
	_ =	sdelay $0x1  }
0x69: {  	v1 =	vmul.f32 v2, v1;
	_ =	sdelay $0x1  }
0x6a: {  	v1 =	vsub.f32 v5, v1;
	_ =	sdelay $0x1  }
.Ltmp6:
0x6b: {  	[tilespmem:v63+s2+$0x0] =	vst.idx.msk $0xffff, v1;
	(pc) =	sbr.rel .LBB2_8-.Ltmp6, $4  }
0x6c: {  	[hbm4b:s7+s2] =	stream.linear.scatter [tilespmem:s2], [sflag:$0x1], $0x3200, $0x38;
	[tilespmem:$0x4B80] =	vst v63  }
0x6d: {  	_ =	swait.ge [sflag:s14], $0x3200  }
0x6e: {  	[sflag:s14] =	ssyncset.done $0x0  }
0x6f: {  	[sflag:s14] =	ssyncadd.s32 $0xFFFFCE00  }
.LBB2_9:
0x70: {  	_ =	sfence.sel $0x180000  }
0x71: {  	[bflag:$0x0] =	sbarrier.arrive $0xFFFF  }
0x72: {  	p0 =	sne.s32 s0, $0x0;
	_ =	strace $0x9000004A  }
0x73: {  	s0 =	sadd.s32 @!p0 $0x100000, s1;
	[bflag:$0x2] =	sbarrier.arrive $0xFFFF  }
0x74: {  	[sflag:s0] =	ssyncadd.tile.s32 @!p0 $0x1;
	_ =	shalt  }
.Lfunc_end2:
_tile_overlayer_lowered:
.L_overlay_start_2:
0x75: {  	(tag) =	ssettag $0x2  }
0x76: {  	s0 =	rddreg [dreg:$0x0];
	s2 =	stileid.u32  }
0x77: {  	s1 =	rddreg [dreg:$0x1];
	p0 =	sne.s32 s2, $0x0  }
0x78: {  	s3 =	rddreg [dreg:$0x2];
	[bflag:$0x3] =	sbarrier.arrive $0xFFFF;
	s2 =	simm.s32 @!p0 $0x1C01  }
0x79: {  	[timem:s3], [sflag:s2] =	dma.local @!p0 [hbm:s0], s1  }
0x7a: {  	s0 =	simm.s32 @!p0 $0x1  }
0x7b: {  	_ =	swait.ge @!p0 [sflag:s0], s1  }
0x7c: {  	s1 =	ssub.s32 @!p0 $0x0, s1;
	[sflag:s0] =	ssyncset.done @!p0 $0x0  }
0x7d: {  	[sflag:s0] =	ssyncadd.s32 @!p0 s1  }
0x7e: {  	[bflag:$0x3] =	sbarrier.arrive $0xFFFF  }
0x7f: {  	_ =	shalt  }

</sc_bundles>
